<compile_context>
chip_gen: v7x
topology: tpu7x:2x2x1
jax: 0.10.2.dev20260603
libtpu: 0.0.44.dev20260713+nightly
codegen_flags: <defaults>
</compile_context>

<pallas_src>
import functools

import jax
import jax.numpy as jnp
from jax import lax
from jax.experimental import pallas as pl
from jax.experimental.pallas import tpu as pltpu
from jax.experimental.pallas import tpu_sc as plsc

DIM = 128
CHUNK = 128
NBUF = 7
LA = 4


def _sc_gather(table, idx3d):
    info = plsc.get_sparse_core_info()
    nc, ns = info.num_cores, info.num_subcores
    nw = nc * ns
    chunks_per_w = idx3d.shape[0] // (nw * CHUNK)
    rows_per_w = chunks_per_w * CHUNK
    total = nw * rows_per_w

    mesh = plsc.VectorSubcoreMesh(core_axis_name="c", subcore_axis_name="s")

    @functools.partial(
        pl.kernel,
        mesh=mesh,
        out_type=jax.ShapeDtypeStruct((total, DIM), jnp.float32),
        scratch_types=[
            pltpu.VMEM((chunks_per_w * CHUNK,), jnp.int32),
        ]
        + [pltpu.VMEM((CHUNK, DIM), jnp.float32)] * NBUF
        + [pltpu.SemaphoreType.DMA] * (2 * NBUF),
    )
    def k(table_hbm, idx_hbm, out_hbm, idx_v, *scratch):
        rows = scratch[:NBUF]
        gsem = scratch[NBUF : 2 * NBUF]
        osem = scratch[2 * NBUF :]
        wid = lax.axis_index("s") * nc + lax.axis_index("c")
        obase = wid * rows_per_w
        pltpu.sync_copy(idx_hbm.at[pl.ds(wid * rows_per_w, rows_per_w)], idx_v)

        def gstart(j, b):
            pltpu.async_copy(
                table_hbm.at[idx_v.at[pl.ds(j * CHUNK, CHUNK)]], rows[b], gsem[b]
            )

        def step(j, b, do_owait, do_gstart):
            pltpu.make_async_copy(
                table_hbm.at[idx_v.at[pl.ds(j * CHUNK, CHUNK)]], rows[b], gsem[b]
            ).wait()
            pltpu.async_copy(
                rows[b], out_hbm.at[pl.ds(obase + j * CHUNK, CHUNK)], osem[b]
            )
            if do_gstart:
                jn = j + LA
                bn = (b + LA) % NBUF
                if do_owait:
                    pltpu.make_async_copy(
                        rows[bn], out_hbm.at[pl.ds(obase, CHUNK)], osem[bn]
                    ).wait()
                pltpu.async_copy(
                    table_hbm.at[idx_v.at[pl.ds(jn * CHUNK, CHUNK)]], rows[bn], gsem[bn]
                )

        n = chunks_per_w
        for j in range(LA):
            gstart(j, j % NBUF)
        for j in range(NBUF - LA):
            step(j, j % NBUF, False, True)
        nmain = n - NBUF
        nblocks = nmain // NBUF

        def body(g, carry):
            j0 = (NBUF - LA) + g * NBUF
            for t in range(NBUF):
                step(j0 + t, (NBUF - LA + t) % NBUF, True, True)
            return carry

        lax.fori_loop(0, nblocks, body, 0)
        for j in range(NBUF - LA + nblocks * NBUF, n - LA):
            step(j, j % NBUF, True, True)
        for j in range(n - LA, n):
            step(j, j % NBUF, False, False)
        for j in range(n - NBUF, n):
            b = j % NBUF
            pltpu.make_async_copy(
                rows[b], out_hbm.at[pl.ds(obase, CHUNK)], osem[b]
            ).wait()

    return k(table, idx3d)


def kernel(x, weight):
    flat = x.T.reshape(-1).astype(jnp.int32)
    out = _sc_gather(weight, flat)
    return out.reshape(x.shape[1], x.shape[0], DIM).transpose(1, 0, 2)

# --- scband reference (transcript-rebuilt; emitter-appended) ---
"""Pipeline reference for scband-vocab-parallel-embedding-223338300002 (READ-ONLY COPY).

The authoritative reference and input builder live on the scoring server;
editing this copy changes nothing except your own understanding.
"""

import jax, jax.numpy as jnp
import numpy as np

NUM_EMBEDDINGS = 100000
EMBEDDING_DIM = 128


def setup_inputs(seed: int = 0) -> dict:
    key = jax.random.key(seed)
    k_x, k_w = jax.random.split(key, 2)
    x = jax.random.randint(k_x, (4096, 50), 0, NUM_EMBEDDINGS, dtype=jnp.int64 if jax.config.jax_enable_x64 else jnp.int32)
    weight = jax.random.normal(k_w, (NUM_EMBEDDINGS, EMBEDDING_DIM), dtype=jnp.float32) * 0.02
    return {"x": x, "weight": weight}


def reference(x, weight):
    # VocabParallelEmbedding.forward with tp_size == 1 (single partition):
    # the masking / all_reduce branches are no-ops, leaving F.embedding(x, weight),
    # i.e. a row gather from the embedding table.
    y = jnp.take(weight, x, axis=0)
    return y

if __name__ == "__main__":
    import jax
    _d = setup_inputs()
    print(jax.jit(kernel)(*tuple(_d.values())))

</pallas_src>

<mosaic_0001>
#map = affine_map<(d0, d1) -> (0, 0)>
#map1 = affine_map<(d0, d1) -> (0)>
module attributes {stable_mosaic.version = 14 : i64} {
  func.func @k(%arg0: i32, %arg1: i32, %arg2: memref<100000x128xf32, #tpu.memory_space<hbm>>, %arg3: memref<204800xi32, #tpu.memory_space<hbm>>, %arg4: memref<204800x128xf32, #tpu.memory_space<hbm>>, %arg5: memref<6400xi32, #tpu.memory_space<vmem>>, %arg6: memref<128x128xf32, #tpu.memory_space<vmem>>, %arg7: memref<128x128xf32, #tpu.memory_space<vmem>>, %arg8: memref<128x128xf32, #tpu.memory_space<vmem>>, %arg9: memref<128x128xf32, #tpu.memory_space<vmem>>, %arg10: memref<128x128xf32, #tpu.memory_space<vmem>>, %arg11: memref<128x128xf32, #tpu.memory_space<vmem>>, %arg12: memref<128x128xf32, #tpu.memory_space<vmem>>, %arg13: memref<!tpu.dma_semaphore, #tpu.memory_space<semaphore_mem>>, %arg14: memref<!tpu.dma_semaphore, #tpu.memory_space<semaphore_mem>>, %arg15: memref<!tpu.dma_semaphore, #tpu.memory_space<semaphore_mem>>, %arg16: memref<!tpu.dma_semaphore, #tpu.memory_space<semaphore_mem>>, %arg17: memref<!tpu.dma_semaphore, #tpu.memory_space<semaphore_mem>>, %arg18: memref<!tpu.dma_semaphore, #tpu.memory_space<semaphore_mem>>, %arg19: memref<!tpu.dma_semaphore, #tpu.memory_space<semaphore_mem>>, %arg20: memref<!tpu.dma_semaphore, #tpu.memory_space<semaphore_mem>>, %arg21: memref<!tpu.dma_semaphore, #tpu.memory_space<semaphore_mem>>, %arg22: memref<!tpu.dma_semaphore, #tpu.memory_space<semaphore_mem>>, %arg23: memref<!tpu.dma_semaphore, #tpu.memory_space<semaphore_mem>>, %arg24: memref<!tpu.dma_semaphore, #tpu.memory_space<semaphore_mem>>, %arg25: memref<!tpu.dma_semaphore, #tpu.memory_space<semaphore_mem>>, %arg26: memref<!tpu.dma_semaphore, #tpu.memory_space<semaphore_mem>>) attributes {dimension_semantics = [#tpu.dimension_semantics<core_parallel>, #tpu.dimension_semantics<subcore_parallel>], iteration_bounds = array<i64: 2, 16>, scalar_prefetch = 0 : i64, scratch_operands = 22 : i64, tpu.core_type = #tpu.core_type<sc_vector_subcore>, window_params = [{transform_indices = #map}, {transform_indices = #map1}, {transform_indices = #map}]} {
    %mul3A = arith.constant 2 : i32
    %mul3A_0 = arith.muli %arg1, %mul3A : i32
    %add3A = arith.addi %mul3A_0, %arg0 : i32
    %mul3A_1 = arith.constant 6400 : i32
    %mul3A_2 = arith.muli %add3A, %mul3A_1 : i32
    %mul3A_3 = arith.constant 6400 : i32
    %mul3A_4 = arith.muli %add3A, %mul3A_3 : i32
    "tpu.region"() ({
      %run_scoped3A = tpu.sem_alloc : memref<!tpu.dma_semaphore, #tpu.memory_space<semaphore_mem>>
      %dma_start3A_168 = tpu.memref_slice %arg3[%mul3A_4] : memref<204800xi32, #tpu.memory_space<hbm>> -> memref<6400xi32, #tpu.memory_space<hbm>>
      %dma_start3A_169 = tpu.memref_slice %arg3[%mul3A_4] : memref<204800xi32, #tpu.memory_space<hbm>> -> memref<6400xi32, #tpu.memory_space<hbm>>
      tpu.enqueue_dma source(%dma_start3A_169 : memref<6400xi32, #tpu.memory_space<hbm>>) target(%arg5 : memref<6400xi32, #tpu.memory_space<vmem>>) target_semaphore(%run_scoped3A : memref<!tpu.dma_semaphore, #tpu.memory_space<semaphore_mem>>)
      %dma_wait3A_170 = tpu.memref_slice %arg3[%mul3A_4] : memref<204800xi32, #tpu.memory_space<hbm>> -> memref<6400xi32, #tpu.memory_space<hbm>>
      %dma_wait3A_171 = tpu.memref_slice %arg3[%mul3A_4] : memref<204800xi32, #tpu.memory_space<hbm>> -> memref<6400xi32, #tpu.memory_space<hbm>>
      tpu.wait_dma2 semaphore(%run_scoped3A : memref<!tpu.dma_semaphore, #tpu.memory_space<semaphore_mem>>) src(%dma_wait3A_171 : memref<6400xi32, #tpu.memory_space<hbm>>) dst(%arg5 : memref<6400xi32, #tpu.memory_space<vmem>>)
      tpu.yield
    }) : () -> ()
    %dma_start3A = arith.constant 0 : i32
    %dma_start3A_5 = tpu.memref_slice %arg5[%dma_start3A] : memref<6400xi32, #tpu.memory_space<vmem>> -> memref<128xi32, #tpu.memory_space<vmem>>
    %dma_start3A_6 = arith.constant 0 : i32
    %dma_start3A_7 = arith.constant 0 : i32
    %dma_start3A_8 = tpu.memref_slice %arg2[%dma_start3A_6, %dma_start3A_7] : memref<100000x128xf32, #tpu.memory_space<hbm>> -> memref<100000x128xf32, #tpu.memory_space<hbm>>
    tpu.enqueue_indirect_dma source(%dma_start3A_8 : memref<100000x128xf32, #tpu.memory_space<hbm>>) target(%arg6 : memref<128x128xf32, #tpu.memory_space<vmem>>) offsets(%dma_start3A_5 : memref<128xi32, #tpu.memory_space<vmem>>) semaphore(%arg13 : memref<!tpu.dma_semaphore, #tpu.memory_space<semaphore_mem>>)
    %dma_start3A_9 = arith.constant 128 : i32
    %dma_start3A_10 = tpu.memref_slice %arg5[%dma_start3A_9] : memref<6400xi32, #tpu.memory_space<vmem>> -> memref<128xi32, #tpu.memory_space<vmem>>
    %dma_start3A_11 = arith.constant 0 : i32
    %dma_start3A_12 = arith.constant 0 : i32
    %dma_start3A_13 = tpu.memref_slice %arg2[%dma_start3A_11, %dma_start3A_12] : memref<100000x128xf32, #tpu.memory_space<hbm>> -> memref<100000x128xf32, #tpu.memory_space<hbm>>
    tpu.enqueue_indirect_dma source(%dma_start3A_13 : memref<100000x128xf32, #tpu.memory_space<hbm>>) target(%arg7 : memref<128x128xf32, #tpu.memory_space<vmem>>) offsets(%dma_start3A_10 : memref<128xi32, #tpu.memory_space<vmem>>) semaphore(%arg14 : memref<!tpu.dma_semaphore, #tpu.memory_space<semaphore_mem>>)
    %dma_start3A_14 = arith.constant 256 : i32
    %dma_start3A_15 = tpu.memref_slice %arg5[%dma_start3A_14] : memref<6400xi32, #tpu.memory_space<vmem>> -> memref<128xi32, #tpu.memory_space<vmem>>
    %dma_start3A_16 = arith.constant 0 : i32
    %dma_start3A_17 = arith.constant 0 : i32
    %dma_start3A_18 = tpu.memref_slice %arg2[%dma_start3A_16, %dma_start3A_17] : memref<100000x128xf32, #tpu.memory_space<hbm>> -> memref<100000x128xf32, #tpu.memory_space<hbm>>
    tpu.enqueue_indirect_dma source(%dma_start3A_18 : memref<100000x128xf32, #tpu.memory_space<hbm>>) target(%arg8 : memref<128x128xf32, #tpu.memory_space<vmem>>) offsets(%dma_start3A_15 : memref<128xi32, #tpu.memory_space<vmem>>) semaphore(%arg15 : memref<!tpu.dma_semaphore, #tpu.memory_space<semaphore_mem>>)
    %dma_start3A_19 = arith.constant 384 : i32
    %dma_start3A_20 = tpu.memref_slice %arg5[%dma_start3A_19] : memref<6400xi32, #tpu.memory_space<vmem>> -> memref<128xi32, #tpu.memory_space<vmem>>
    %dma_start3A_21 = arith.constant 0 : i32
    %dma_start3A_22 = arith.constant 0 : i32
    %dma_start3A_23 = tpu.memref_slice %arg2[%dma_start3A_21, %dma_start3A_22] : memref<100000x128xf32, #tpu.memory_space<hbm>> -> memref<100000x128xf32, #tpu.memory_space<hbm>>
    tpu.enqueue_indirect_dma source(%dma_start3A_23 : memref<100000x128xf32, #tpu.memory_space<hbm>>) target(%arg9 : memref<128x128xf32, #tpu.memory_space<vmem>>) offsets(%dma_start3A_20 : memref<128xi32, #tpu.memory_space<vmem>>) semaphore(%arg16 : memref<!tpu.dma_semaphore, #tpu.memory_space<semaphore_mem>>)
    %dma_wait3A = arith.constant 0 : i32
    %dma_wait3A_24 = tpu.memref_slice %arg5[%dma_wait3A] : memref<6400xi32, #tpu.memory_space<vmem>> -> memref<128xi32, #tpu.memory_space<vmem>>
    %dma_wait3A_25 = arith.constant 0 : i32
    %dma_wait3A_26 = arith.constant 0 : i32
    %dma_wait3A_27 = tpu.memref_slice %arg2[%dma_wait3A_25, %dma_wait3A_26] : memref<100000x128xf32, #tpu.memory_space<hbm>> -> memref<100000x128xf32, #tpu.memory_space<hbm>>
    tpu.wait_indirect_dma semaphore(%arg13 : memref<!tpu.dma_semaphore, #tpu.memory_space<semaphore_mem>>) src(%dma_wait3A_27 : memref<100000x128xf32, #tpu.memory_space<hbm>>) dst(%arg6 : memref<128x128xf32, #tpu.memory_space<vmem>>)
    %add3A_28 = arith.constant 0 : i32
    %add3A_29 = arith.addi %mul3A_2, %add3A_28 : i32
    %dma_start3A_30 = arith.constant 0 : i32
    %dma_start3A_31 = tpu.memref_slice %arg4[%add3A_29, %dma_start3A_30] : memref<204800x128xf32, #tpu.memory_space<hbm>> -> memref<128x128xf32, #tpu.memory_space<hbm>>
    %dma_start3A_32 = arith.constant 0 : i32
    %dma_start3A_33 = tpu.memref_slice %arg4[%add3A_29, %dma_start3A_32] : memref<204800x128xf32, #tpu.memory_space<hbm>> -> memref<128x128xf32, #tpu.memory_space<hbm>>
    tpu.enqueue_dma source(%arg6 : memref<128x128xf32, #tpu.memory_space<vmem>>) target(%dma_start3A_33 : memref<128x128xf32, #tpu.memory_space<hbm>>) target_semaphore(%arg20 : memref<!tpu.dma_semaphore, #tpu.memory_space<semaphore_mem>>)
    %dma_start3A_34 = arith.constant 512 : i32
    %dma_start3A_35 = tpu.memref_slice %arg5[%dma_start3A_34] : memref<6400xi32, #tpu.memory_space<vmem>> -> memref<128xi32, #tpu.memory_space<vmem>>
    %dma_start3A_36 = arith.constant 0 : i32
    %dma_start3A_37 = arith.constant 0 : i32
    %dma_start3A_38 = tpu.memref_slice %arg2[%dma_start3A_36, %dma_start3A_37] : memref<100000x128xf32, #tpu.memory_space<hbm>> -> memref<100000x128xf32, #tpu.memory_space<hbm>>
    tpu.enqueue_indirect_dma source(%dma_start3A_38 : memref<100000x128xf32, #tpu.memory_space<hbm>>) target(%arg10 : memref<128x128xf32, #tpu.memory_space<vmem>>) offsets(%dma_start3A_35 : memref<128xi32, #tpu.memory_space<vmem>>) semaphore(%arg17 : memref<!tpu.dma_semaphore, #tpu.memory_space<semaphore_mem>>)
    %dma_wait3A_39 = arith.constant 128 : i32
    %dma_wait3A_40 = tpu.memref_slice %arg5[%dma_wait3A_39] : memref<6400xi32, #tpu.memory_space<vmem>> -> memref<128xi32, #tpu.memory_space<vmem>>
    %dma_wait3A_41 = arith.constant 0 : i32
    %dma_wait3A_42 = arith.constant 0 : i32
    %dma_wait3A_43 = tpu.memref_slice %arg2[%dma_wait3A_41, %dma_wait3A_42] : memref<100000x128xf32, #tpu.memory_space<hbm>> -> memref<100000x128xf32, #tpu.memory_space<hbm>>
    tpu.wait_indirect_dma semaphore(%arg14 : memref<!tpu.dma_semaphore, #tpu.memory_space<semaphore_mem>>) src(%dma_wait3A_43 : memref<100000x128xf32, #tpu.memory_space<hbm>>) dst(%arg7 : memref<128x128xf32, #tpu.memory_space<vmem>>)
    %add3A_44 = arith.constant 128 : i32
    %add3A_45 = arith.addi %mul3A_2, %add3A_44 : i32
    %dma_start3A_46 = arith.constant 0 : i32
    %dma_start3A_47 = tpu.memref_slice %arg4[%add3A_45, %dma_start3A_46] : memref<204800x128xf32, #tpu.memory_space<hbm>> -> memref<128x128xf32, #tpu.memory_space<hbm>>
    %dma_start3A_48 = arith.constant 0 : i32
    %dma_start3A_49 = tpu.memref_slice %arg4[%add3A_45, %dma_start3A_48] : memref<204800x128xf32, #tpu.memory_space<hbm>> -> memref<128x128xf32, #tpu.memory_space<hbm>>
    tpu.enqueue_dma source(%arg7 : memref<128x128xf32, #tpu.memory_space<vmem>>) target(%dma_start3A_49 : memref<128x128xf32, #tpu.memory_space<hbm>>) target_semaphore(%arg21 : memref<!tpu.dma_semaphore, #tpu.memory_space<semaphore_mem>>)
    %dma_start3A_50 = arith.constant 640 : i32
    %dma_start3A_51 = tpu.memref_slice %arg5[%dma_start3A_50] : memref<6400xi32, #tpu.memory_space<vmem>> -> memref<128xi32, #tpu.memory_space<vmem>>
    %dma_start3A_52 = arith.constant 0 : i32
    %dma_start3A_53 = arith.constant 0 : i32
    %dma_start3A_54 = tpu.memref_slice %arg2[%dma_start3A_52, %dma_start3A_53] : memref<100000x128xf32, #tpu.memory_space<hbm>> -> memref<100000x128xf32, #tpu.memory_space<hbm>>
    tpu.enqueue_indirect_dma source(%dma_start3A_54 : memref<100000x128xf32, #tpu.memory_space<hbm>>) target(%arg11 : memref<128x128xf32, #tpu.memory_space<vmem>>) offsets(%dma_start3A_51 : memref<128xi32, #tpu.memory_space<vmem>>) semaphore(%arg18 : memref<!tpu.dma_semaphore, #tpu.memory_space<semaphore_mem>>)
    %dma_wait3A_55 = arith.constant 256 : i32
    %dma_wait3A_56 = tpu.memref_slice %arg5[%dma_wait3A_55] : memref<6400xi32, #tpu.memory_space<vmem>> -> memref<128xi32, #tpu.memory_space<vmem>>
    %dma_wait3A_57 = arith.constant 0 : i32
    %dma_wait3A_58 = arith.constant 0 : i32
    %dma_wait3A_59 = tpu.memref_slice %arg2[%dma_wait3A_57, %dma_wait3A_58] : memref<100000x128xf32, #tpu.memory_space<hbm>> -> memref<100000x128xf32, #tpu.memory_space<hbm>>
    tpu.wait_indirect_dma semaphore(%arg15 : memref<!tpu.dma_semaphore, #tpu.memory_space<semaphore_mem>>) src(%dma_wait3A_59 : memref<100000x128xf32, #tpu.memory_space<hbm>>) dst(%arg8 : memref<128x128xf32, #tpu.memory_space<vmem>>)
    %add3A_60 = arith.constant 256 : i32
    %add3A_61 = arith.addi %mul3A_2, %add3A_60 : i32
    %dma_start3A_62 = arith.constant 0 : i32
    %dma_start3A_63 = tpu.memref_slice %arg4[%add3A_61, %dma_start3A_62] : memref<204800x128xf32, #tpu.memory_space<hbm>> -> memref<128x128xf32, #tpu.memory_space<hbm>>
    %dma_start3A_64 = arith.constant 0 : i32
    %dma_start3A_65 = tpu.memref_slice %arg4[%add3A_61, %dma_start3A_64] : memref<204800x128xf32, #tpu.memory_space<hbm>> -> memref<128x128xf32, #tpu.memory_space<hbm>>
    tpu.enqueue_dma source(%arg8 : memref<128x128xf32, #tpu.memory_space<vmem>>) target(%dma_start3A_65 : memref<128x128xf32, #tpu.memory_space<hbm>>) target_semaphore(%arg22 : memref<!tpu.dma_semaphore, #tpu.memory_space<semaphore_mem>>)
    %dma_start3A_66 = arith.constant 768 : i32
    %dma_start3A_67 = tpu.memref_slice %arg5[%dma_start3A_66] : memref<6400xi32, #tpu.memory_space<vmem>> -> memref<128xi32, #tpu.memory_space<vmem>>
    %dma_start3A_68 = arith.constant 0 : i32
    %dma_start3A_69 = arith.constant 0 : i32
    %dma_start3A_70 = tpu.memref_slice %arg2[%dma_start3A_68, %dma_start3A_69] : memref<100000x128xf32, #tpu.memory_space<hbm>> -> memref<100000x128xf32, #tpu.memory_space<hbm>>
    tpu.enqueue_indirect_dma source(%dma_start3A_70 : memref<100000x128xf32, #tpu.memory_space<hbm>>) target(%arg12 : memref<128x128xf32, #tpu.memory_space<vmem>>) offsets(%dma_start3A_67 : memref<128xi32, #tpu.memory_space<vmem>>) semaphore(%arg19 : memref<!tpu.dma_semaphore, #tpu.memory_space<semaphore_mem>>)
    %scan3A = arith.constant 0 : i32
    %scan3A_71 = arith.constant 0 : i32
    %scan3A_72 = arith.constant 6 : i32
    %scan3A_73 = arith.addi %scan3A_71, %scan3A_72 : i32
    %scan3A_74 = arith.constant 1 : i32
    scf.for %scan3A_168 = %scan3A_71 to %scan3A_73 step %scan3A_74  : i32 {
      %mul3A_169 = arith.constant 7 : i32
      %mul3A_170 = arith.muli %scan3A_168, %mul3A_169 : i32
      %add3A_171 = arith.constant 3 : i32
      %add3A_172 = arith.addi %add3A_171, %mul3A_170 : i32
      %add3A_173 = arith.constant 0 : i32
      %add3A_174 = arith.addi %add3A_172, %add3A_173 : i32
      %mul3A_175 = arith.constant 128 : i32
      %mul3A_176 = arith.muli %add3A_174, %mul3A_175 : i32
      %dma_wait3A_177 = tpu.memref_slice %arg5[%mul3A_176] : memref<6400xi32, #tpu.memory_space<vmem>> -> memref<128xi32, #tpu.memory_space<vmem>>
      %dma_wait3A_178 = arith.constant 0 : i32
      %dma_wait3A_179 = arith.constant 0 : i32
      %dma_wait3A_180 = tpu.memref_slice %arg2[%dma_wait3A_178, %dma_wait3A_179] : memref<100000x128xf32, #tpu.memory_space<hbm>> -> memref<100000x128xf32, #tpu.memory_space<hbm>>
      tpu.wait_indirect_dma semaphore(%arg16 : memref<!tpu.dma_semaphore, #tpu.memory_space<semaphore_mem>>) src(%dma_wait3A_180 : memref<100000x128xf32, #tpu.memory_space<hbm>>) dst(%arg9 : memref<128x128xf32, #tpu.memory_space<vmem>>)
      %mul3A_181 = arith.constant 128 : i32
      %mul3A_182 = arith.muli %add3A_174, %mul3A_181 : i32
      %add3A_183 = arith.addi %mul3A_2, %mul3A_182 : i32
      %dma_start3A_184 = arith.constant 0 : i32
      %dma_start3A_185 = tpu.memref_slice %arg4[%add3A_183, %dma_start3A_184] : memref<204800x128xf32, #tpu.memory_space<hbm>> -> memref<128x128xf32, #tpu.memory_space<hbm>>
      %dma_start3A_186 = arith.constant 0 : i32
      %dma_start3A_187 = tpu.memref_slice %arg4[%add3A_183, %dma_start3A_186] : memref<204800x128xf32, #tpu.memory_space<hbm>> -> memref<128x128xf32, #tpu.memory_space<hbm>>
      tpu.enqueue_dma source(%arg9 : memref<128x128xf32, #tpu.memory_space<vmem>>) target(%dma_start3A_187 : memref<128x128xf32, #tpu.memory_space<hbm>>) target_semaphore(%arg23 : memref<!tpu.dma_semaphore, #tpu.memory_space<semaphore_mem>>)
      %add3A_188 = arith.constant 4 : i32
      %add3A_189 = arith.addi %add3A_174, %add3A_188 : i32
      %dma_wait3A_190 = arith.constant 0 : i32
      %dma_wait3A_191 = tpu.memref_slice %arg4[%mul3A_2, %dma_wait3A_190] : memref<204800x128xf32, #tpu.memory_space<hbm>> -> memref<128x128xf32, #tpu.memory_space<hbm>>
      %dma_wait3A_192 = arith.constant 0 : i32
      %dma_wait3A_193 = tpu.memref_slice %arg4[%mul3A_2, %dma_wait3A_192] : memref<204800x128xf32, #tpu.memory_space<hbm>> -> memref<128x128xf32, #tpu.memory_space<hbm>>
      tpu.wait_dma2 semaphore(%arg20 : memref<!tpu.dma_semaphore, #tpu.memory_space<semaphore_mem>>) src(%arg6 : memref<128x128xf32, #tpu.memory_space<vmem>>) dst(%dma_wait3A_193 : memref<128x128xf32, #tpu.memory_space<hbm>>)
      %mul3A_194 = arith.constant 128 : i32
      %mul3A_195 = arith.muli %add3A_189, %mul3A_194 : i32
      %dma_start3A_196 = tpu.memref_slice %arg5[%mul3A_195] : memref<6400xi32, #tpu.memory_space<vmem>> -> memref<128xi32, #tpu.memory_space<vmem>>
      %dma_start3A_197 = arith.constant 0 : i32
      %dma_start3A_198 = arith.constant 0 : i32
      %dma_start3A_199 = tpu.memref_slice %arg2[%dma_start3A_197, %dma_start3A_198] : memref<100000x128xf32, #tpu.memory_space<hbm>> -> memref<100000x128xf32, #tpu.memory_space<hbm>>
      tpu.enqueue_indirect_dma source(%dma_start3A_199 : memref<100000x128xf32, #tpu.memory_space<hbm>>) target(%arg6 : memref<128x128xf32, #tpu.memory_space<vmem>>) offsets(%dma_start3A_196 : memref<128xi32, #tpu.memory_space<vmem>>) semaphore(%arg13 : memref<!tpu.dma_semaphore, #tpu.memory_space<semaphore_mem>>)
      %add3A_200 = arith.constant 1 : i32
      %add3A_201 = arith.addi %add3A_172, %add3A_200 : i32
      %mul3A_202 = arith.constant 128 : i32
      %mul3A_203 = arith.muli %add3A_201, %mul3A_202 : i32
      %dma_wait3A_204 = tpu.memref_slice %arg5[%mul3A_203] : memref<6400xi32, #tpu.memory_space<vmem>> -> memref<128xi32, #tpu.memory_space<vmem>>
      %dma_wait3A_205 = arith.constant 0 : i32
      %dma_wait3A_206 = arith.constant 0 : i32
      %dma_wait3A_207 = tpu.memref_slice %arg2[%dma_wait3A_205, %dma_wait3A_206] : memref<100000x128xf32, #tpu.memory_space<hbm>> -> memref<100000x128xf32, #tpu.memory_space<hbm>>
      tpu.wait_indirect_dma semaphore(%arg17 : memref<!tpu.dma_semaphore, #tpu.memory_space<semaphore_mem>>) src(%dma_wait3A_207 : memref<100000x128xf32, #tpu.memory_space<hbm>>) dst(%arg10 : memref<128x128xf32, #tpu.memory_space<vmem>>)
      %mul3A_208 = arith.constant 128 : i32
      %mul3A_209 = arith.muli %add3A_201, %mul3A_208 : i32
      %add3A_210 = arith.addi %mul3A_2, %mul3A_209 : i32
      %dma_start3A_211 = arith.constant 0 : i32
      %dma_start3A_212 = tpu.memref_slice %arg4[%add3A_210, %dma_start3A_211] : memref<204800x128xf32, #tpu.memory_space<hbm>> -> memref<128x128xf32, #tpu.memory_space<hbm>>
      %dma_start3A_213 = arith.constant 0 : i32
      %dma_start3A_214 = tpu.memref_slice %arg4[%add3A_210, %dma_start3A_213] : memref<204800x128xf32, #tpu.memory_space<hbm>> -> memref<128x128xf32, #tpu.memory_space<hbm>>
      tpu.enqueue_dma source(%arg10 : memref<128x128xf32, #tpu.memory_space<vmem>>) target(%dma_start3A_214 : memref<128x128xf32, #tpu.memory_space<hbm>>) target_semaphore(%arg24 : memref<!tpu.dma_semaphore, #tpu.memory_space<semaphore_mem>>)
      %add3A_215 = arith.constant 4 : i32
      %add3A_216 = arith.addi %add3A_201, %add3A_215 : i32
      %dma_wait3A_217 = arith.constant 0 : i32
      %dma_wait3A_218 = tpu.memref_slice %arg4[%mul3A_2, %dma_wait3A_217] : memref<204800x128xf32, #tpu.memory_space<hbm>> -> memref<128x128xf32, #tpu.memory_space<hbm>>
      %dma_wait3A_219 = arith.constant 0 : i32
      %dma_wait3A_220 = tpu.memref_slice %arg4[%mul3A_2, %dma_wait3A_219] : memref<204800x128xf32, #tpu.memory_space<hbm>> -> memref<128x128xf32, #tpu.memory_space<hbm>>
      tpu.wait_dma2 semaphore(%arg21 : memref<!tpu.dma_semaphore, #tpu.memory_space<semaphore_mem>>) src(%arg7 : memref<128x128xf32, #tpu.memory_space<vmem>>) dst(%dma_wait3A_220 : memref<128x128xf32, #tpu.memory_space<hbm>>)
      %mul3A_221 = arith.constant 128 : i32
      %mul3A_222 = arith.muli %add3A_216, %mul3A_221 : i32
      %dma_start3A_223 = tpu.memref_slice %arg5[%mul3A_222] : memref<6400xi32, #tpu.memory_space<vmem>> -> memref<128xi32, #tpu.memory_space<vmem>>
      %dma_start3A_224 = arith.constant 0 : i32
      %dma_start3A_225 = arith.constant 0 : i32
      %dma_start3A_226 = tpu.memref_slice %arg2[%dma_start3A_224, %dma_start3A_225] : memref<100000x128xf32, #tpu.memory_space<hbm>> -> memref<100000x128xf32, #tpu.memory_space<hbm>>
      tpu.enqueue_indirect_dma source(%dma_start3A_226 : memref<100000x128xf32, #tpu.memory_space<hbm>>) target(%arg7 : memref<128x128xf32, #tpu.memory_space<vmem>>) offsets(%dma_start3A_223 : memref<128xi32, #tpu.memory_space<vmem>>) semaphore(%arg14 : memref<!tpu.dma_semaphore, #tpu.memory_space<semaphore_mem>>)
      %add3A_227 = arith.constant 2 : i32
      %add3A_228 = arith.addi %add3A_172, %add3A_227 : i32
      %mul3A_229 = arith.constant 128 : i32
      %mul3A_230 = arith.muli %add3A_228, %mul3A_229 : i32
      %dma_wait3A_231 = tpu.memref_slice %arg5[%mul3A_230] : memref<6400xi32, #tpu.memory_space<vmem>> -> memref<128xi32, #tpu.memory_space<vmem>>
      %dma_wait3A_232 = arith.constant 0 : i32
      %dma_wait3A_233 = arith.constant 0 : i32
      %dma_wait3A_234 = tpu.memref_slice %arg2[%dma_wait3A_232, %dma_wait3A_233] : memref<100000x128xf32, #tpu.memory_space<hbm>> -> memref<100000x128xf32, #tpu.memory_space<hbm>>
      tpu.wait_indirect_dma semaphore(%arg18 : memref<!tpu.dma_semaphore, #tpu.memory_space<semaphore_mem>>) src(%dma_wait3A_234 : memref<100000x128xf32, #tpu.memory_space<hbm>>) dst(%arg11 : memref<128x128xf32, #tpu.memory_space<vmem>>)
      %mul3A_235 = arith.constant 128 : i32
      %mul3A_236 = arith.muli %add3A_228, %mul3A_235 : i32
      %add3A_237 = arith.addi %mul3A_2, %mul3A_236 : i32
      %dma_start3A_238 = arith.constant 0 : i32
      %dma_start3A_239 = tpu.memref_slice %arg4[%add3A_237, %dma_start3A_238] : memref<204800x128xf32, #tpu.memory_space<hbm>> -> memref<128x128xf32, #tpu.memory_space<hbm>>
      %dma_start3A_240 = arith.constant 0 : i32
      %dma_start3A_241 = tpu.memref_slice %arg4[%add3A_237, %dma_start3A_240] : memref<204800x128xf32, #tpu.memory_space<hbm>> -> memref<128x128xf32, #tpu.memory_space<hbm>>
      tpu.enqueue_dma source(%arg11 : memref<128x128xf32, #tpu.memory_space<vmem>>) target(%dma_start3A_241 : memref<128x128xf32, #tpu.memory_space<hbm>>) target_semaphore(%arg25 : memref<!tpu.dma_semaphore, #tpu.memory_space<semaphore_mem>>)
      %add3A_242 = arith.constant 4 : i32
      %add3A_243 = arith.addi %add3A_228, %add3A_242 : i32
      %dma_wait3A_244 = arith.constant 0 : i32
      %dma_wait3A_245 = tpu.memref_slice %arg4[%mul3A_2, %dma_wait3A_244] : memref<204800x128xf32, #tpu.memory_space<hbm>> -> memref<128x128xf32, #tpu.memory_space<hbm>>
      %dma_wait3A_246 = arith.constant 0 : i32
      %dma_wait3A_247 = tpu.memref_slice %arg4[%mul3A_2, %dma_wait3A_246] : memref<204800x128xf32, #tpu.memory_space<hbm>> -> memref<128x128xf32, #tpu.memory_space<hbm>>
      tpu.wait_dma2 semaphore(%arg22 : memref<!tpu.dma_semaphore, #tpu.memory_space<semaphore_mem>>) src(%arg8 : memref<128x128xf32, #tpu.memory_space<vmem>>) dst(%dma_wait3A_247 : memref<128x128xf32, #tpu.memory_space<hbm>>)
      %mul3A_248 = arith.constant 128 : i32
      %mul3A_249 = arith.muli %add3A_243, %mul3A_248 : i32
      %dma_start3A_250 = tpu.memref_slice %arg5[%mul3A_249] : memref<6400xi32, #tpu.memory_space<vmem>> -> memref<128xi32, #tpu.memory_space<vmem>>
      %dma_start3A_251 = arith.constant 0 : i32
      %dma_start3A_252 = arith.constant 0 : i32
      %dma_start3A_253 = tpu.memref_slice %arg2[%dma_start3A_251, %dma_start3A_252] : memref<100000x128xf32, #tpu.memory_space<hbm>> -> memref<100000x128xf32, #tpu.memory_space<hbm>>
      tpu.enqueue_indirect_dma source(%dma_start3A_253 : memref<100000x128xf32, #tpu.memory_space<hbm>>) target(%arg8 : memref<128x128xf32, #tpu.memory_space<vmem>>) offsets(%dma_start3A_250 : memref<128xi32, #tpu.memory_space<vmem>>) semaphore(%arg15 : memref<!tpu.dma_semaphore, #tpu.memory_space<semaphore_mem>>)
      %add3A_254 = arith.constant 3 : i32
      %add3A_255 = arith.addi %add3A_172, %add3A_254 : i32
      %mul3A_256 = arith.constant 128 : i32
      %mul3A_257 = arith.muli %add3A_255, %mul3A_256 : i32
      %dma_wait3A_258 = tpu.memref_slice %arg5[%mul3A_257] : memref<6400xi32, #tpu.memory_space<vmem>> -> memref<128xi32, #tpu.memory_space<vmem>>
      %dma_wait3A_259 = arith.constant 0 : i32
      %dma_wait3A_260 = arith.constant 0 : i32
      %dma_wait3A_261 = tpu.memref_slice %arg2[%dma_wait3A_259, %dma_wait3A_260] : memref<100000x128xf32, #tpu.memory_space<hbm>> -> memref<100000x128xf32, #tpu.memory_space<hbm>>
      tpu.wait_indirect_dma semaphore(%arg19 : memref<!tpu.dma_semaphore, #tpu.memory_space<semaphore_mem>>) src(%dma_wait3A_261 : memref<100000x128xf32, #tpu.memory_space<hbm>>) dst(%arg12 : memref<128x128xf32, #tpu.memory_space<vmem>>)
      %mul3A_262 = arith.constant 128 : i32
      %mul3A_263 = arith.muli %add3A_255, %mul3A_262 : i32
      %add3A_264 = arith.addi %mul3A_2, %mul3A_263 : i32
      %dma_start3A_265 = arith.constant 0 : i32
      %dma_start3A_266 = tpu.memref_slice %arg4[%add3A_264, %dma_start3A_265] : memref<204800x128xf32, #tpu.memory_space<hbm>> -> memref<128x128xf32, #tpu.memory_space<hbm>>
      %dma_start3A_267 = arith.constant 0 : i32
      %dma_start3A_268 = tpu.memref_slice %arg4[%add3A_264, %dma_start3A_267] : memref<204800x128xf32, #tpu.memory_space<hbm>> -> memref<128x128xf32, #tpu.memory_space<hbm>>
      tpu.enqueue_dma source(%arg12 : memref<128x128xf32, #tpu.memory_space<vmem>>) target(%dma_start3A_268 : memref<128x128xf32, #tpu.memory_space<hbm>>) target_semaphore(%arg26 : memref<!tpu.dma_semaphore, #tpu.memory_space<semaphore_mem>>)
      %add3A_269 = arith.constant 4 : i32
      %add3A_270 = arith.addi %add3A_255, %add3A_269 : i32
      %dma_wait3A_271 = arith.constant 0 : i32
      %dma_wait3A_272 = tpu.memref_slice %arg4[%mul3A_2, %dma_wait3A_271] : memref<204800x128xf32, #tpu.memory_space<hbm>> -> memref<128x128xf32, #tpu.memory_space<hbm>>
      %dma_wait3A_273 = arith.constant 0 : i32
      %dma_wait3A_274 = tpu.memref_slice %arg4[%mul3A_2, %dma_wait3A_273] : memref<204800x128xf32, #tpu.memory_space<hbm>> -> memref<128x128xf32, #tpu.memory_space<hbm>>
      tpu.wait_dma2 semaphore(%arg23 : memref<!tpu.dma_semaphore, #tpu.memory_space<semaphore_mem>>) src(%arg9 : memref<128x128xf32, #tpu.memory_space<vmem>>) dst(%dma_wait3A_274 : memref<128x128xf32, #tpu.memory_space<hbm>>)
      %mul3A_275 = arith.constant 128 : i32
      %mul3A_276 = arith.muli %add3A_270, %mul3A_275 : i32
      %dma_start3A_277 = tpu.memref_slice %arg5[%mul3A_276] : memref<6400xi32, #tpu.memory_space<vmem>> -> memref<128xi32, #tpu.memory_space<vmem>>
      %dma_start3A_278 = arith.constant 0 : i32
      %dma_start3A_279 = arith.constant 0 : i32
      %dma_start3A_280 = tpu.memref_slice %arg2[%dma_start3A_278, %dma_start3A_279] : memref<100000x128xf32, #tpu.memory_space<hbm>> -> memref<100000x128xf32, #tpu.memory_space<hbm>>
      tpu.enqueue_indirect_dma source(%dma_start3A_280 : memref<100000x128xf32, #tpu.memory_space<hbm>>) target(%arg9 : memref<128x128xf32, #tpu.memory_space<vmem>>) offsets(%dma_start3A_277 : memref<128xi32, #tpu.memory_space<vmem>>) semaphore(%arg16 : memref<!tpu.dma_semaphore, #tpu.memory_space<semaphore_mem>>)
      %add3A_281 = arith.constant 4 : i32
      %add3A_282 = arith.addi %add3A_172, %add3A_281 : i32
      %mul3A_283 = arith.constant 128 : i32
      %mul3A_284 = arith.muli %add3A_282, %mul3A_283 : i32
      %dma_wait3A_285 = tpu.memref_slice %arg5[%mul3A_284] : memref<6400xi32, #tpu.memory_space<vmem>> -> memref<128xi32, #tpu.memory_space<vmem>>
      %dma_wait3A_286 = arith.constant 0 : i32
      %dma_wait3A_287 = arith.constant 0 : i32
      %dma_wait3A_288 = tpu.memref_slice %arg2[%dma_wait3A_286, %dma_wait3A_287] : memref<100000x128xf32, #tpu.memory_space<hbm>> -> memref<100000x128xf32, #tpu.memory_space<hbm>>
      tpu.wait_indirect_dma semaphore(%arg13 : memref<!tpu.dma_semaphore, #tpu.memory_space<semaphore_mem>>) src(%dma_wait3A_288 : memref<100000x128xf32, #tpu.memory_space<hbm>>) dst(%arg6 : memref<128x128xf32, #tpu.memory_space<vmem>>)
      %mul3A_289 = arith.constant 128 : i32
      %mul3A_290 = arith.muli %add3A_282, %mul3A_289 : i32
      %add3A_291 = arith.addi %mul3A_2, %mul3A_290 : i32
      %dma_start3A_292 = arith.constant 0 : i32
      %dma_start3A_293 = tpu.memref_slice %arg4[%add3A_291, %dma_start3A_292] : memref<204800x128xf32, #tpu.memory_space<hbm>> -> memref<128x128xf32, #tpu.memory_space<hbm>>
      %dma_start3A_294 = arith.constant 0 : i32
      %dma_start3A_295 = tpu.memref_slice %arg4[%add3A_291, %dma_start3A_294] : memref<204800x128xf32, #tpu.memory_space<hbm>> -> memref<128x128xf32, #tpu.memory_space<hbm>>
      tpu.enqueue_dma source(%arg6 : memref<128x128xf32, #tpu.memory_space<vmem>>) target(%dma_start3A_295 : memref<128x128xf32, #tpu.memory_space<hbm>>) target_semaphore(%arg20 : memref<!tpu.dma_semaphore, #tpu.memory_space<semaphore_mem>>)
      %add3A_296 = arith.constant 4 : i32
      %add3A_297 = arith.addi %add3A_282, %add3A_296 : i32
      %dma_wait3A_298 = arith.constant 0 : i32
      %dma_wait3A_299 = tpu.memref_slice %arg4[%mul3A_2, %dma_wait3A_298] : memref<204800x128xf32, #tpu.memory_space<hbm>> -> memref<128x128xf32, #tpu.memory_space<hbm>>
      %dma_wait3A_300 = arith.constant 0 : i32
      %dma_wait3A_301 = tpu.memref_slice %arg4[%mul3A_2, %dma_wait3A_300] : memref<204800x128xf32, #tpu.memory_space<hbm>> -> memref<128x128xf32, #tpu.memory_space<hbm>>
      tpu.wait_dma2 semaphore(%arg24 : memref<!tpu.dma_semaphore, #tpu.memory_space<semaphore_mem>>) src(%arg10 : memref<128x128xf32, #tpu.memory_space<vmem>>) dst(%dma_wait3A_301 : memref<128x128xf32, #tpu.memory_space<hbm>>)
      %mul3A_302 = arith.constant 128 : i32
      %mul3A_303 = arith.muli %add3A_297, %mul3A_302 : i32
      %dma_start3A_304 = tpu.memref_slice %arg5[%mul3A_303] : memref<6400xi32, #tpu.memory_space<vmem>> -> memref<128xi32, #tpu.memory_space<vmem>>
      %dma_start3A_305 = arith.constant 0 : i32
      %dma_start3A_306 = arith.constant 0 : i32
      %dma_start3A_307 = tpu.memref_slice %arg2[%dma_start3A_305, %dma_start3A_306] : memref<100000x128xf32, #tpu.memory_space<hbm>> -> memref<100000x128xf32, #tpu.memory_space<hbm>>
      tpu.enqueue_indirect_dma source(%dma_start3A_307 : memref<100000x128xf32, #tpu.memory_space<hbm>>) target(%arg10 : memref<128x128xf32, #tpu.memory_space<vmem>>) offsets(%dma_start3A_304 : memref<128xi32, #tpu.memory_space<vmem>>) semaphore(%arg17 : memref<!tpu.dma_semaphore, #tpu.memory_space<semaphore_mem>>)
      %add3A_308 = arith.constant 5 : i32
      %add3A_309 = arith.addi %add3A_172, %add3A_308 : i32
      %mul3A_310 = arith.constant 128 : i32
      %mul3A_311 = arith.muli %add3A_309, %mul3A_310 : i32
      %dma_wait3A_312 = tpu.memref_slice %arg5[%mul3A_311] : memref<6400xi32, #tpu.memory_space<vmem>> -> memref<128xi32, #tpu.memory_space<vmem>>
      %dma_wait3A_313 = arith.constant 0 : i32
      %dma_wait3A_314 = arith.constant 0 : i32
      %dma_wait3A_315 = tpu.memref_slice %arg2[%dma_wait3A_313, %dma_wait3A_314] : memref<100000x128xf32, #tpu.memory_space<hbm>> -> memref<100000x128xf32, #tpu.memory_space<hbm>>
      tpu.wait_indirect_dma semaphore(%arg14 : memref<!tpu.dma_semaphore, #tpu.memory_space<semaphore_mem>>) src(%dma_wait3A_315 : memref<100000x128xf32, #tpu.memory_space<hbm>>) dst(%arg7 : memref<128x128xf32, #tpu.memory_space<vmem>>)
      %mul3A_316 = arith.constant 128 : i32
      %mul3A_317 = arith.muli %add3A_309, %mul3A_316 : i32
      %add3A_318 = arith.addi %mul3A_2, %mul3A_317 : i32
      %dma_start3A_319 = arith.constant 0 : i32
      %dma_start3A_320 = tpu.memref_slice %arg4[%add3A_318, %dma_start3A_319] : memref<204800x128xf32, #tpu.memory_space<hbm>> -> memref<128x128xf32, #tpu.memory_space<hbm>>
      %dma_start3A_321 = arith.constant 0 : i32
      %dma_start3A_322 = tpu.memref_slice %arg4[%add3A_318, %dma_start3A_321] : memref<204800x128xf32, #tpu.memory_space<hbm>> -> memref<128x128xf32, #tpu.memory_space<hbm>>
      tpu.enqueue_dma source(%arg7 : memref<128x128xf32, #tpu.memory_space<vmem>>) target(%dma_start3A_322 : memref<128x128xf32, #tpu.memory_space<hbm>>) target_semaphore(%arg21 : memref<!tpu.dma_semaphore, #tpu.memory_space<semaphore_mem>>)
      %add3A_323 = arith.constant 4 : i32
      %add3A_324 = arith.addi %add3A_309, %add3A_323 : i32
      %dma_wait3A_325 = arith.constant 0 : i32
      %dma_wait3A_326 = tpu.memref_slice %arg4[%mul3A_2, %dma_wait3A_325] : memref<204800x128xf32, #tpu.memory_space<hbm>> -> memref<128x128xf32, #tpu.memory_space<hbm>>
      %dma_wait3A_327 = arith.constant 0 : i32
      %dma_wait3A_328 = tpu.memref_slice %arg4[%mul3A_2, %dma_wait3A_327] : memref<204800x128xf32, #tpu.memory_space<hbm>> -> memref<128x128xf32, #tpu.memory_space<hbm>>
      tpu.wait_dma2 semaphore(%arg25 : memref<!tpu.dma_semaphore, #tpu.memory_space<semaphore_mem>>) src(%arg11 : memref<128x128xf32, #tpu.memory_space<vmem>>) dst(%dma_wait3A_328 : memref<128x128xf32, #tpu.memory_space<hbm>>)
      %mul3A_329 = arith.constant 128 : i32
      %mul3A_330 = arith.muli %add3A_324, %mul3A_329 : i32
      %dma_start3A_331 = tpu.memref_slice %arg5[%mul3A_330] : memref<6400xi32, #tpu.memory_space<vmem>> -> memref<128xi32, #tpu.memory_space<vmem>>
      %dma_start3A_332 = arith.constant 0 : i32
      %dma_start3A_333 = arith.constant 0 : i32
      %dma_start3A_334 = tpu.memref_slice %arg2[%dma_start3A_332, %dma_start3A_333] : memref<100000x128xf32, #tpu.memory_space<hbm>> -> memref<100000x128xf32, #tpu.memory_space<hbm>>
      tpu.enqueue_indirect_dma source(%dma_start3A_334 : memref<100000x128xf32, #tpu.memory_space<hbm>>) target(%arg11 : memref<128x128xf32, #tpu.memory_space<vmem>>) offsets(%dma_start3A_331 : memref<128xi32, #tpu.memory_space<vmem>>) semaphore(%arg18 : memref<!tpu.dma_semaphore, #tpu.memory_space<semaphore_mem>>)
      %add3A_335 = arith.constant 6 : i32
      %add3A_336 = arith.addi %add3A_172, %add3A_335 : i32
      %mul3A_337 = arith.constant 128 : i32
      %mul3A_338 = arith.muli %add3A_336, %mul3A_337 : i32
      %dma_wait3A_339 = tpu.memref_slice %arg5[%mul3A_338] : memref<6400xi32, #tpu.memory_space<vmem>> -> memref<128xi32, #tpu.memory_space<vmem>>
      %dma_wait3A_340 = arith.constant 0 : i32
      %dma_wait3A_341 = arith.constant 0 : i32
      %dma_wait3A_342 = tpu.memref_slice %arg2[%dma_wait3A_340, %dma_wait3A_341] : memref<100000x128xf32, #tpu.memory_space<hbm>> -> memref<100000x128xf32, #tpu.memory_space<hbm>>
      tpu.wait_indirect_dma semaphore(%arg15 : memref<!tpu.dma_semaphore, #tpu.memory_space<semaphore_mem>>) src(%dma_wait3A_342 : memref<100000x128xf32, #tpu.memory_space<hbm>>) dst(%arg8 : memref<128x128xf32, #tpu.memory_space<vmem>>)
      %mul3A_343 = arith.constant 128 : i32
      %mul3A_344 = arith.muli %add3A_336, %mul3A_343 : i32
      %add3A_345 = arith.addi %mul3A_2, %mul3A_344 : i32
      %dma_start3A_346 = arith.constant 0 : i32
      %dma_start3A_347 = tpu.memref_slice %arg4[%add3A_345, %dma_start3A_346] : memref<204800x128xf32, #tpu.memory_space<hbm>> -> memref<128x128xf32, #tpu.memory_space<hbm>>
      %dma_start3A_348 = arith.constant 0 : i32
      %dma_start3A_349 = tpu.memref_slice %arg4[%add3A_345, %dma_start3A_348] : memref<204800x128xf32, #tpu.memory_space<hbm>> -> memref<128x128xf32, #tpu.memory_space<hbm>>
      tpu.enqueue_dma source(%arg8 : memref<128x128xf32, #tpu.memory_space<vmem>>) target(%dma_start3A_349 : memref<128x128xf32, #tpu.memory_space<hbm>>) target_semaphore(%arg22 : memref<!tpu.dma_semaphore, #tpu.memory_space<semaphore_mem>>)
      %add3A_350 = arith.constant 4 : i32
      %add3A_351 = arith.addi %add3A_336, %add3A_350 : i32
      %dma_wait3A_352 = arith.constant 0 : i32
      %dma_wait3A_353 = tpu.memref_slice %arg4[%mul3A_2, %dma_wait3A_352] : memref<204800x128xf32, #tpu.memory_space<hbm>> -> memref<128x128xf32, #tpu.memory_space<hbm>>
      %dma_wait3A_354 = arith.constant 0 : i32
      %dma_wait3A_355 = tpu.memref_slice %arg4[%mul3A_2, %dma_wait3A_354] : memref<204800x128xf32, #tpu.memory_space<hbm>> -> memref<128x128xf32, #tpu.memory_space<hbm>>
      tpu.wait_dma2 semaphore(%arg26 : memref<!tpu.dma_semaphore, #tpu.memory_space<semaphore_mem>>) src(%arg12 : memref<128x128xf32, #tpu.memory_space<vmem>>) dst(%dma_wait3A_355 : memref<128x128xf32, #tpu.memory_space<hbm>>)
      %mul3A_356 = arith.constant 128 : i32
      %mul3A_357 = arith.muli %add3A_351, %mul3A_356 : i32
      %dma_start3A_358 = tpu.memref_slice %arg5[%mul3A_357] : memref<6400xi32, #tpu.memory_space<vmem>> -> memref<128xi32, #tpu.memory_space<vmem>>
      %dma_start3A_359 = arith.constant 0 : i32
      %dma_start3A_360 = arith.constant 0 : i32
      %dma_start3A_361 = tpu.memref_slice %arg2[%dma_start3A_359, %dma_start3A_360] : memref<100000x128xf32, #tpu.memory_space<hbm>> -> memref<100000x128xf32, #tpu.memory_space<hbm>>
      tpu.enqueue_indirect_dma source(%dma_start3A_361 : memref<100000x128xf32, #tpu.memory_space<hbm>>) target(%arg12 : memref<128x128xf32, #tpu.memory_space<vmem>>) offsets(%dma_start3A_358 : memref<128xi32, #tpu.memory_space<vmem>>) semaphore(%arg19 : memref<!tpu.dma_semaphore, #tpu.memory_space<semaphore_mem>>)
    }
    %scan3A_75 = arith.constant 6 : i32
    %dma_wait3A_76 = arith.constant 5760 : i32
    %dma_wait3A_77 = tpu.memref_slice %arg5[%dma_wait3A_76] : memref<6400xi32, #tpu.memory_space<vmem>> -> memref<128xi32, #tpu.memory_space<vmem>>
    %dma_wait3A_78 = arith.constant 0 : i32
    %dma_wait3A_79 = arith.constant 0 : i32
    %dma_wait3A_80 = tpu.memref_slice %arg2[%dma_wait3A_78, %dma_wait3A_79] : memref<100000x128xf32, #tpu.memory_space<hbm>> -> memref<100000x128xf32, #tpu.memory_space<hbm>>
    tpu.wait_indirect_dma semaphore(%arg16 : memref<!tpu.dma_semaphore, #tpu.memory_space<semaphore_mem>>) src(%dma_wait3A_80 : memref<100000x128xf32, #tpu.memory_space<hbm>>) dst(%arg9 : memref<128x128xf32, #tpu.memory_space<vmem>>)
    %add3A_81 = arith.constant 5760 : i32
    %add3A_82 = arith.addi %mul3A_2, %add3A_81 : i32
    %dma_start3A_83 = arith.constant 0 : i32
    %dma_start3A_84 = tpu.memref_slice %arg4[%add3A_82, %dma_start3A_83] : memref<204800x128xf32, #tpu.memory_space<hbm>> -> memref<128x128xf32, #tpu.memory_space<hbm>>
    %dma_start3A_85 = arith.constant 0 : i32
    %dma_start3A_86 = tpu.memref_slice %arg4[%add3A_82, %dma_start3A_85] : memref<204800x128xf32, #tpu.memory_space<hbm>> -> memref<128x128xf32, #tpu.memory_space<hbm>>
    tpu.enqueue_dma source(%arg9 : memref<128x128xf32, #tpu.memory_space<vmem>>) target(%dma_start3A_86 : memref<128x128xf32, #tpu.memory_space<hbm>>) target_semaphore(%arg23 : memref<!tpu.dma_semaphore, #tpu.memory_space<semaphore_mem>>)
    %dma_wait3A_87 = arith.constant 0 : i32
    %dma_wait3A_88 = tpu.memref_slice %arg4[%mul3A_2, %dma_wait3A_87] : memref<204800x128xf32, #tpu.memory_space<hbm>> -> memref<128x128xf32, #tpu.memory_space<hbm>>
    %dma_wait3A_89 = arith.constant 0 : i32
    %dma_wait3A_90 = tpu.memref_slice %arg4[%mul3A_2, %dma_wait3A_89] : memref<204800x128xf32, #tpu.memory_space<hbm>> -> memref<128x128xf32, #tpu.memory_space<hbm>>
    tpu.wait_dma2 semaphore(%arg20 : memref<!tpu.dma_semaphore, #tpu.memory_space<semaphore_mem>>) src(%arg6 : memref<128x128xf32, #tpu.memory_space<vmem>>) dst(%dma_wait3A_90 : memref<128x128xf32, #tpu.memory_space<hbm>>)
    %dma_start3A_91 = arith.constant 6272 : i32
    %dma_start3A_92 = tpu.memref_slice %arg5[%dma_start3A_91] : memref<6400xi32, #tpu.memory_space<vmem>> -> memref<128xi32, #tpu.memory_space<vmem>>
    %dma_start3A_93 = arith.constant 0 : i32
    %dma_start3A_94 = arith.constant 0 : i32
    %dma_start3A_95 = tpu.memref_slice %arg2[%dma_start3A_93, %dma_start3A_94] : memref<100000x128xf32, #tpu.memory_space<hbm>> -> memref<100000x128xf32, #tpu.memory_space<hbm>>
    tpu.enqueue_indirect_dma source(%dma_start3A_95 : memref<100000x128xf32, #tpu.memory_space<hbm>>) target(%arg6 : memref<128x128xf32, #tpu.memory_space<vmem>>) offsets(%dma_start3A_92 : memref<128xi32, #tpu.memory_space<vmem>>) semaphore(%arg13 : memref<!tpu.dma_semaphore, #tpu.memory_space<semaphore_mem>>)
    %dma_wait3A_96 = arith.constant 5888 : i32
    %dma_wait3A_97 = tpu.memref_slice %arg5[%dma_wait3A_96] : memref<6400xi32, #tpu.memory_space<vmem>> -> memref<128xi32, #tpu.memory_space<vmem>>
    %dma_wait3A_98 = arith.constant 0 : i32
    %dma_wait3A_99 = arith.constant 0 : i32
    %dma_wait3A_100 = tpu.memref_slice %arg2[%dma_wait3A_98, %dma_wait3A_99] : memref<100000x128xf32, #tpu.memory_space<hbm>> -> memref<100000x128xf32, #tpu.memory_space<hbm>>
    tpu.wait_indirect_dma semaphore(%arg17 : memref<!tpu.dma_semaphore, #tpu.memory_space<semaphore_mem>>) src(%dma_wait3A_100 : memref<100000x128xf32, #tpu.memory_space<hbm>>) dst(%arg10 : memref<128x128xf32, #tpu.memory_space<vmem>>)
    %add3A_101 = arith.constant 5888 : i32
    %add3A_102 = arith.addi %mul3A_2, %add3A_101 : i32
    %dma_start3A_103 = arith.constant 0 : i32
    %dma_start3A_104 = tpu.memref_slice %arg4[%add3A_102, %dma_start3A_103] : memref<204800x128xf32, #tpu.memory_space<hbm>> -> memref<128x128xf32, #tpu.memory_space<hbm>>
    %dma_start3A_105 = arith.constant 0 : i32
    %dma_start3A_106 = tpu.memref_slice %arg4[%add3A_102, %dma_start3A_105] : memref<204800x128xf32, #tpu.memory_space<hbm>> -> memref<128x128xf32, #tpu.memory_space<hbm>>
    tpu.enqueue_dma source(%arg10 : memref<128x128xf32, #tpu.memory_space<vmem>>) target(%dma_start3A_106 : memref<128x128xf32, #tpu.memory_space<hbm>>) target_semaphore(%arg24 : memref<!tpu.dma_semaphore, #tpu.memory_space<semaphore_mem>>)
    %dma_wait3A_107 = arith.constant 6016 : i32
    %dma_wait3A_108 = tpu.memref_slice %arg5[%dma_wait3A_107] : memref<6400xi32, #tpu.memory_space<vmem>> -> memref<128xi32, #tpu.memory_space<vmem>>
    %dma_wait3A_109 = arith.constant 0 : i32
    %dma_wait3A_110 = arith.constant 0 : i32
    %dma_wait3A_111 = tpu.memref_slice %arg2[%dma_wait3A_109, %dma_wait3A_110] : memref<100000x128xf32, #tpu.memory_space<hbm>> -> memref<100000x128xf32, #tpu.memory_space<hbm>>
    tpu.wait_indirect_dma semaphore(%arg18 : memref<!tpu.dma_semaphore, #tpu.memory_space<semaphore_mem>>) src(%dma_wait3A_111 : memref<100000x128xf32, #tpu.memory_space<hbm>>) dst(%arg11 : memref<128x128xf32, #tpu.memory_space<vmem>>)
    %add3A_112 = arith.constant 6016 : i32
    %add3A_113 = arith.addi %mul3A_2, %add3A_112 : i32
    %dma_start3A_114 = arith.constant 0 : i32
    %dma_start3A_115 = tpu.memref_slice %arg4[%add3A_113, %dma_start3A_114] : memref<204800x128xf32, #tpu.memory_space<hbm>> -> memref<128x128xf32, #tpu.memory_space<hbm>>
    %dma_start3A_116 = arith.constant 0 : i32
    %dma_start3A_117 = tpu.memref_slice %arg4[%add3A_113, %dma_start3A_116] : memref<204800x128xf32, #tpu.memory_space<hbm>> -> memref<128x128xf32, #tpu.memory_space<hbm>>
    tpu.enqueue_dma source(%arg11 : memref<128x128xf32, #tpu.memory_space<vmem>>) target(%dma_start3A_117 : memref<128x128xf32, #tpu.memory_space<hbm>>) target_semaphore(%arg25 : memref<!tpu.dma_semaphore, #tpu.memory_space<semaphore_mem>>)
    %dma_wait3A_118 = arith.constant 6144 : i32
    %dma_wait3A_119 = tpu.memref_slice %arg5[%dma_wait3A_118] : memref<6400xi32, #tpu.memory_space<vmem>> -> memref<128xi32, #tpu.memory_space<vmem>>
    %dma_wait3A_120 = arith.constant 0 : i32
    %dma_wait3A_121 = arith.constant 0 : i32
    %dma_wait3A_122 = tpu.memref_slice %arg2[%dma_wait3A_120, %dma_wait3A_121] : memref<100000x128xf32, #tpu.memory_space<hbm>> -> memref<100000x128xf32, #tpu.memory_space<hbm>>
    tpu.wait_indirect_dma semaphore(%arg19 : memref<!tpu.dma_semaphore, #tpu.memory_space<semaphore_mem>>) src(%dma_wait3A_122 : memref<100000x128xf32, #tpu.memory_space<hbm>>) dst(%arg12 : memref<128x128xf32, #tpu.memory_space<vmem>>)
    %add3A_123 = arith.constant 6144 : i32
    %add3A_124 = arith.addi %mul3A_2, %add3A_123 : i32
    %dma_start3A_125 = arith.constant 0 : i32
    %dma_start3A_126 = tpu.memref_slice %arg4[%add3A_124, %dma_start3A_125] : memref<204800x128xf32, #tpu.memory_space<hbm>> -> memref<128x128xf32, #tpu.memory_space<hbm>>
    %dma_start3A_127 = arith.constant 0 : i32
    %dma_start3A_128 = tpu.memref_slice %arg4[%add3A_124, %dma_start3A_127] : memref<204800x128xf32, #tpu.memory_space<hbm>> -> memref<128x128xf32, #tpu.memory_space<hbm>>
    tpu.enqueue_dma source(%arg12 : memref<128x128xf32, #tpu.memory_space<vmem>>) target(%dma_start3A_128 : memref<128x128xf32, #tpu.memory_space<hbm>>) target_semaphore(%arg26 : memref<!tpu.dma_semaphore, #tpu.memory_space<semaphore_mem>>)
    %dma_wait3A_129 = arith.constant 6272 : i32
    %dma_wait3A_130 = tpu.memref_slice %arg5[%dma_wait3A_129] : memref<6400xi32, #tpu.memory_space<vmem>> -> memref<128xi32, #tpu.memory_space<vmem>>
    %dma_wait3A_131 = arith.constant 0 : i32
    %dma_wait3A_132 = arith.constant 0 : i32
    %dma_wait3A_133 = tpu.memref_slice %arg2[%dma_wait3A_131, %dma_wait3A_132] : memref<100000x128xf32, #tpu.memory_space<hbm>> -> memref<100000x128xf32, #tpu.memory_space<hbm>>
    tpu.wait_indirect_dma semaphore(%arg13 : memref<!tpu.dma_semaphore, #tpu.memory_space<semaphore_mem>>) src(%dma_wait3A_133 : memref<100000x128xf32, #tpu.memory_space<hbm>>) dst(%arg6 : memref<128x128xf32, #tpu.memory_space<vmem>>)
    %add3A_134 = arith.constant 6272 : i32
    %add3A_135 = arith.addi %mul3A_2, %add3A_134 : i32
    %dma_start3A_136 = arith.constant 0 : i32
    %dma_start3A_137 = tpu.memref_slice %arg4[%add3A_135, %dma_start3A_136] : memref<204800x128xf32, #tpu.memory_space<hbm>> -> memref<128x128xf32, #tpu.memory_space<hbm>>
    %dma_start3A_138 = arith.constant 0 : i32
    %dma_start3A_139 = tpu.memref_slice %arg4[%add3A_135, %dma_start3A_138] : memref<204800x128xf32, #tpu.memory_space<hbm>> -> memref<128x128xf32, #tpu.memory_space<hbm>>
    tpu.enqueue_dma source(%arg6 : memref<128x128xf32, #tpu.memory_space<vmem>>) target(%dma_start3A_139 : memref<128x128xf32, #tpu.memory_space<hbm>>) target_semaphore(%arg20 : memref<!tpu.dma_semaphore, #tpu.memory_space<semaphore_mem>>)
    %dma_wait3A_140 = arith.constant 0 : i32
    %dma_wait3A_141 = tpu.memref_slice %arg4[%mul3A_2, %dma_wait3A_140] : memref<204800x128xf32, #tpu.memory_space<hbm>> -> memref<128x128xf32, #tpu.memory_space<hbm>>
    %dma_wait3A_142 = arith.constant 0 : i32
    %dma_wait3A_143 = tpu.memref_slice %arg4[%mul3A_2, %dma_wait3A_142] : memref<204800x128xf32, #tpu.memory_space<hbm>> -> memref<128x128xf32, #tpu.memory_space<hbm>>
    tpu.wait_dma2 semaphore(%arg21 : memref<!tpu.dma_semaphore, #tpu.memory_space<semaphore_mem>>) src(%arg7 : memref<128x128xf32, #tpu.memory_space<vmem>>) dst(%dma_wait3A_143 : memref<128x128xf32, #tpu.memory_space<hbm>>)
    %dma_wait3A_144 = arith.constant 0 : i32
    %dma_wait3A_145 = tpu.memref_slice %arg4[%mul3A_2, %dma_wait3A_144] : memref<204800x128xf32, #tpu.memory_space<hbm>> -> memref<128x128xf32, #tpu.memory_space<hbm>>
    %dma_wait3A_146 = arith.constant 0 : i32
    %dma_wait3A_147 = tpu.memref_slice %arg4[%mul3A_2, %dma_wait3A_146] : memref<204800x128xf32, #tpu.memory_space<hbm>> -> memref<128x128xf32, #tpu.memory_space<hbm>>
    tpu.wait_dma2 semaphore(%arg22 : memref<!tpu.dma_semaphore, #tpu.memory_space<semaphore_mem>>) src(%arg8 : memref<128x128xf32, #tpu.memory_space<vmem>>) dst(%dma_wait3A_147 : memref<128x128xf32, #tpu.memory_space<hbm>>)
    %dma_wait3A_148 = arith.constant 0 : i32
    %dma_wait3A_149 = tpu.memref_slice %arg4[%mul3A_2, %dma_wait3A_148] : memref<204800x128xf32, #tpu.memory_space<hbm>> -> memref<128x128xf32, #tpu.memory_space<hbm>>
    %dma_wait3A_150 = arith.constant 0 : i32
    %dma_wait3A_151 = tpu.memref_slice %arg4[%mul3A_2, %dma_wait3A_150] : memref<204800x128xf32, #tpu.memory_space<hbm>> -> memref<128x128xf32, #tpu.memory_space<hbm>>
    tpu.wait_dma2 semaphore(%arg23 : memref<!tpu.dma_semaphore, #tpu.memory_space<semaphore_mem>>) src(%arg9 : memref<128x128xf32, #tpu.memory_space<vmem>>) dst(%dma_wait3A_151 : memref<128x128xf32, #tpu.memory_space<hbm>>)
    %dma_wait3A_152 = arith.constant 0 : i32
    %dma_wait3A_153 = tpu.memref_slice %arg4[%mul3A_2, %dma_wait3A_152] : memref<204800x128xf32, #tpu.memory_space<hbm>> -> memref<128x128xf32, #tpu.memory_space<hbm>>
    %dma_wait3A_154 = arith.constant 0 : i32
    %dma_wait3A_155 = tpu.memref_slice %arg4[%mul3A_2, %dma_wait3A_154] : memref<204800x128xf32, #tpu.memory_space<hbm>> -> memref<128x128xf32, #tpu.memory_space<hbm>>
    tpu.wait_dma2 semaphore(%arg24 : memref<!tpu.dma_semaphore, #tpu.memory_space<semaphore_mem>>) src(%arg10 : memref<128x128xf32, #tpu.memory_space<vmem>>) dst(%dma_wait3A_155 : memref<128x128xf32, #tpu.memory_space<hbm>>)
    %dma_wait3A_156 = arith.constant 0 : i32
    %dma_wait3A_157 = tpu.memref_slice %arg4[%mul3A_2, %dma_wait3A_156] : memref<204800x128xf32, #tpu.memory_space<hbm>> -> memref<128x128xf32, #tpu.memory_space<hbm>>
    %dma_wait3A_158 = arith.constant 0 : i32
    %dma_wait3A_159 = tpu.memref_slice %arg4[%mul3A_2, %dma_wait3A_158] : memref<204800x128xf32, #tpu.memory_space<hbm>> -> memref<128x128xf32, #tpu.memory_space<hbm>>
    tpu.wait_dma2 semaphore(%arg25 : memref<!tpu.dma_semaphore, #tpu.memory_space<semaphore_mem>>) src(%arg11 : memref<128x128xf32, #tpu.memory_space<vmem>>) dst(%dma_wait3A_159 : memref<128x128xf32, #tpu.memory_space<hbm>>)
    %dma_wait3A_160 = arith.constant 0 : i32
    %dma_wait3A_161 = tpu.memref_slice %arg4[%mul3A_2, %dma_wait3A_160] : memref<204800x128xf32, #tpu.memory_space<hbm>> -> memref<128x128xf32, #tpu.memory_space<hbm>>
    %dma_wait3A_162 = arith.constant 0 : i32
    %dma_wait3A_163 = tpu.memref_slice %arg4[%mul3A_2, %dma_wait3A_162] : memref<204800x128xf32, #tpu.memory_space<hbm>> -> memref<128x128xf32, #tpu.memory_space<hbm>>
    tpu.wait_dma2 semaphore(%arg26 : memref<!tpu.dma_semaphore, #tpu.memory_space<semaphore_mem>>) src(%arg12 : memref<128x128xf32, #tpu.memory_space<vmem>>) dst(%dma_wait3A_163 : memref<128x128xf32, #tpu.memory_space<hbm>>)
    %dma_wait3A_164 = arith.constant 0 : i32
    %dma_wait3A_165 = tpu.memref_slice %arg4[%mul3A_2, %dma_wait3A_164] : memref<204800x128xf32, #tpu.memory_space<hbm>> -> memref<128x128xf32, #tpu.memory_space<hbm>>
    %dma_wait3A_166 = arith.constant 0 : i32
    %dma_wait3A_167 = tpu.memref_slice %arg4[%mul3A_2, %dma_wait3A_166] : memref<204800x128xf32, #tpu.memory_space<hbm>> -> memref<128x128xf32, #tpu.memory_space<hbm>>
    tpu.wait_dma2 semaphore(%arg20 : memref<!tpu.dma_semaphore, #tpu.memory_space<semaphore_mem>>) src(%arg6 : memref<128x128xf32, #tpu.memory_space<vmem>>) dst(%dma_wait3A_167 : memref<128x128xf32, #tpu.memory_space<hbm>>)
    return
  }
}

</mosaic_0001>

<sc_bundles>
// kernel: kernel.3.cloned.1.call-start
scs
__scs_entry_jumppad:
0x0: {  	(pc) =	sbr.rel $0x88, $3  }
0x1: {  	(tag) =	ssettag $0x0;
	lr =	simm.s32 $0x1  }
0x2: {  	[smem:$0x3F9F] =	sst lr;
	_ =	strace $0xD0000000  }
0x3: {  	_ = 	snop  }
0x4: {  	_ = 	snop  }
0x5: {  	_ = 	snop  }
0x6: {  	_ = 	snop  }
0x7: {  	_ = 	snop  }
__scs_overlays_trampoline_lowered:
0x8: {  	[smem:$0x3FAE] =	sst s0  }
0x9: {  	[smem:$0x3FAF] =	sst s1  }
0xa: {  	[smem:$0x3FB0] =	sst s2  }
0xb: {  	[smem:$0x3FB1] =	sst s3  }
0xc: {  	[smem:$0x3FB2] =	sst s4  }
0xd: {  	[smem:$0x3FB3] =	sst s5  }
0xe: {  	[smem:$0x3FB4] =	sst s6  }
0xf: {  	[smem:$0x3FB5] =	sst s7  }
0x10: {  	[smem:$0x3FB6] =	sst s8  }
0x11: {  	[smem:$0x3FB7] =	sst s9;
	s0 =	simm.s32 @!p0 $0x0  }
0x12: {  	s1 =	sld [smem:$0x3F9D];
	s0 =	simm.s32 @p0 $0x1  }
0x13: {  	[smem:$0x3FB8] =	sst s0;
	s0 =	simm.s32 @!p1 $0x0  }
0x14: {  	s2 =	sld [smem:$0x3F9C];
	s0 =	simm.s32 @p1 $0x1  }
0x15: {  	[smem:$0x3FB9] =	sst s0;
	s0 =	simm.s32 @!p2 $0x0  }
0x16: {  	s3 =	sld [smem:$0x3FDB];
	s0 =	simm.s32 @p2 $0x1  }
0x17: {  	s4 =	simm.s32 $0x1BF5;
	[smem:$0x3FBB] =	sst s0  }
0x18: {  	s0 =	sld [smem:$0x3F9E];
	_ =	swait.ge [sflag:s4], $0x0  }
0x19: {  	s7 =	sld [smem:$0x3F9F]  }
0x1a: {  	s8 =	sadd.s32 $0xFFFFE003, lr  }
0x1b: {  	s9 =	sadd.s32 $0xFFFFFEF7, lr;
	s5 =	simm.s32 $0xFFFFFFFF;
	p2 =	slt.u32 s8, $0xFFFFF086  }
0x1c: {  	p1 =	slt.u32 s9, $0xF7A;
	s5 =	simm.s32 @!p2 $0x0  }
0x1d: {  	s5 =	simm.s32 @p1 $0x1;
	p0 =	seq.s32 s7, s2  }
0x1e: {  	s7 =	smul.u32 @!p0 $0xF7A, s2;
	p2 =	seq.s32 @!p0 s5, $0x0  }
0x1f: {  	s9 =	smul.u32 $0xF7A, s1;
	s8 =	simm.s32 @!p0 $0x1BF5;
	p2 =	por !p2, p0  }
0x20: {  	[sflag:s8] =	ssyncset.s32 @!p0 $0xFFFFF086;
	s6 =	sadd.s32 @!p0 s3, s7;
	s7 =	simm.s32 @!p0 $0x108  }
0x21: {  	s3 =	sadd.s32 s3, s9;
	s6 =	sadd.s32 @!p0 $0x88, s6;
	s7 =	simm.s32 @p2 $0x1082  }
0x22: {  	[simem:s7], [sflag:s8] =	dma.local @!p0 [hbm:s6], $0xF7A  }
0x23: {  	s9 =	sor.u32 $0xD0000000, s2;
	s6 =	simm.s32 $0x108;
	_ =	swait.ge @!p0 [sflag:s8], $0x0  }
0x24: {  	s3 =	sadd.s32 $0x88, s3;
	s6 =	simm.s32 @!p1 $0x1082;
	[sflag:s4] =	ssyncset.s32 $0xFFFFF086  }
0x25: {  	[simem:s6], [sflag:s4] =	dma.local [hbm:s3], $0xF7A  }
0x26: {  	[smem:$0x3F9F] =	sst s1;
	(tag) =	ssettag s2;
	_ =	strace s9  }
0x27: {  	s1 =	sld [smem:$0x3FAF]  }
0x28: {  	s2 =	sld [smem:$0x3FB0]  }
0x29: {  	s4 =	sld [smem:$0x3FB2]  }
0x2a: {  	p0 =	seq.s32 s5, $0x0;
	s5 =	sld [smem:$0x3FB3]  }
0x2b: {  	s6 =	sld [smem:$0x3FB4]  }
0x2c: {  	s7 =	sld [smem:$0x3FB5]  }
0x2d: {  	s3 =	simm.s32 $0x108;
	s8 =	sld [smem:$0x3FB6]  }
0x2e: {  	s3 =	simm.s32 @!p0 $0x1082;
	s9 =	sld [smem:$0x3FB7]  }
0x2f: {  	lr =	sadd.s32 s0, s3;
	s0 =	sld [smem:$0x3FAE]  }
0x30: {  	s3 =	sld [smem:$0x3FB1]  }
0x31: {  	[smem:$0x3FBA] =	sst s10  }
0x32: {  	s10 =	sld [smem:$0x3FB8];
	_ =	sdelay $0x3  }
0x33: {  	p0 =	seq.s32 s10, $0x1;
	s10 =	sld [smem:$0x3FBA];
	_ =	sdelay $0x3  }
0x34: {  	[smem:$0x3FBA] =	sst s10  }
0x35: {  	s10 =	sld [smem:$0x3FB9];
	_ =	sdelay $0x3  }
0x36: {  	p1 =	seq.s32 s10, $0x1;
	s10 =	sld [smem:$0x3FBA];
	_ =	sdelay $0x3  }
0x37: {  	[smem:$0x3FBA] =	sst s10  }
0x38: {  	s10 =	sld [smem:$0x3FBB]  }
0x39: {  	_ = 	snop;
	(pc) =	sbr.ind lr, $3  }
0x3a: {  	_ = 	snop  }
0x3b: {  	_ = 	snop  }
0x3c: {  	p2 =	seq.s32 s10, $0x1;
	s10 =	sld [smem:$0x3FBA]  }
0x3d: {  	_ =	shalt  }
0x3e: {  	_ =	shalt  }
0x3f: {  	_ =	shalt  }
0x40: {  	_ =	shalt  }
0x41: {  	_ =	shalt  }
0x42: {  	_ =	shalt  }
0x43: {  	_ =	shalt  }
0x44: {  	_ =	shalt  }
0x45: {  	_ =	shalt  }
0x46: {  	_ =	shalt  }
0x47: {  	_ =	shalt  }
0x48: {  	_ =	shalt  }
0x49: {  	_ =	shalt  }
0x4a: {  	_ =	shalt  }
0x4b: {  	_ =	shalt  }
0x4c: {  	_ =	shalt  }
0x4d: {  	_ =	shalt  }
0x4e: {  	_ =	shalt  }
0x4f: {  	_ =	shalt  }
0x50: {  	_ =	shalt  }
0x51: {  	_ =	shalt  }
0x52: {  	_ =	shalt  }
0x53: {  	_ =	shalt  }
0x54: {  	_ =	shalt  }
0x55: {  	_ =	shalt  }
0x56: {  	_ =	shalt  }
0x57: {  	_ =	shalt  }
0x58: {  	_ =	shalt  }
0x59: {  	_ =	shalt  }
0x5a: {  	_ =	shalt  }
0x5b: {  	_ =	shalt  }
0x5c: {  	_ =	shalt  }
0x5d: {  	_ =	shalt  }
0x5e: {  	_ =	shalt  }
0x5f: {  	_ =	shalt  }
0x60: {  	_ =	shalt  }
0x61: {  	_ =	shalt  }
0x62: {  	_ =	shalt  }
0x63: {  	_ =	shalt  }
0x64: {  	_ =	shalt  }
0x65: {  	_ =	shalt  }
0x66: {  	_ =	shalt  }
0x67: {  	_ =	shalt  }
0x68: {  	_ =	shalt  }
0x69: {  	_ =	shalt  }
0x6a: {  	_ =	shalt  }
0x6b: {  	_ =	shalt  }
0x6c: {  	_ =	shalt  }
0x6d: {  	_ =	shalt  }
0x6e: {  	_ =	shalt  }
0x6f: {  	_ =	shalt  }
0x70: {  	_ =	shalt  }
0x71: {  	_ =	shalt  }
0x72: {  	_ =	shalt  }
0x73: {  	_ =	shalt  }
0x74: {  	_ =	shalt  }
0x75: {  	_ =	shalt  }
0x76: {  	_ =	shalt  }
0x77: {  	_ =	shalt  }
0x78: {  	_ =	shalt  }
0x79: {  	_ =	shalt  }
0x7a: {  	_ =	shalt  }
0x7b: {  	_ =	shalt  }
0x7c: {  	_ =	shalt  }
0x7d: {  	_ =	shalt  }
0x7e: {  	_ =	shalt  }
0x7f: {  	_ =	shalt  }
0x80: {  	_ =	shalt  }
0x81: {  	_ =	shalt  }
0x82: {  	_ =	shalt  }
0x83: {  	_ =	shalt  }
0x84: {  	_ =	shalt  }
0x85: {  	_ =	shalt  }
0x86: {  	_ =	shalt  }
0x87: {  	_ =	shalt  }
.Lfunc_end0:
.L_simem_size_0:
called_computation_lowered:
.L_overlay_start_0:
0x88: {  	s2 =	sld [smem:$0x3FD9]  }
0x89: {  	s3 =	sld [smem:$0x3FFE];
	_ =	sdelay $0x1  }
0x8a: {  	s1 =	srdreg.scid  }
0x8b: {  	s0 =	sand.u32 $0x1, s1  }
0x8c: {  	s17 =	sshll.u32 s0, $0xA;
	s2 =	sadd.s32 s3, s2  }
0x8d: {  	s2 =	sadd.s32 s2, s17  }
0x8e: {  	[smem:$0x3FC6] =	sst s2  }
0x8f: {  	_ = 	snop  }
0x90: {  	s2 =	sld [smem:$0x3FC8]  }
0x91: {  	s18 =	sld [smem:$0x3FD0];
	(tm) =	ssettm $0x1  }
0x92: {  	s4 =	sld [smem:$0x3FFB];
	_ =	sdelay $0x3  }
0x93: {  	_ =	strace s4  }
0x94: {  	s4 =	sld [smem:$0x3FFC];
	_ =	sdelay $0x3  }
0x95: {  	_ =	strace s4  }
0x96: {  	s4 =	sld [smem:$0x3FFD];
	_ =	sdelay $0x3  }
0x97: {  	_ =	strace s4  }
0x98: {  	_ =	strace $0x8FFFFFFF  }
0x99: {  	s19 =	sld [smem:$0x3FDB];
	_ =	sdelay $0x1  }
0x9a: {  	s5 =	simm.s32 $_scs_section_size  }
0x9b: {  	s6 =	simm.s32 $_size__tile_overlayer_lowered;
	s7 =	simm.s32 $_tile_overlayer_lowered  }
0x9c: {  	s22 =	simm.s32 $0x1BFF;
	s21 =	sshll.u32 s7, $0x1;
	s4 =	sadd.s32 s5, s19  }
0x9d: {  	s8 =	simm.s32 $0x0;
	s20 =	sshll.u32 s6, $0x1;
	s6 =	sadd.s32 s21, s4  }
0x9e: {  	[timem:s8], [sflag:s22] =	dma.local [hbm:s6], s20  }
0x9f: {  	_ =	swait.ge [sflag:s22], s20  }
0xa0: {  	s5 =	ssub.s32 $0x0, s20;
	[sflag:s22] =	ssyncset.done $0x0  }
0xa1: {  	[sflag:s22] =	ssyncadd.s32 s5;
	_ =	sdelay $0x1  }
0xa2: {  	s23 =	simm.s32 $0x1B8B  }
0xa3: {  	_ =	swait.ge [sflag:s23], $0x1  }
0xa4: {  	[sflag:s23] =	ssyncset.done $0x0  }
0xa5: {  	s25 =	simm.s32 $0x1B8E;
	s24 =	sld [smem:$0x3FFE];
	[sflag:s23] =	ssyncadd.s32 $0xFFFFFFFF  }
0xa6: {  	s26 =	simm.s32 $execute0_lowered;
	[smem:$0x3FD2] =	sst s25  }
0xa7: {  	s6 =	sshll.u32 s26, $0x1;
	_ =	strace $0x80000046;
	[dreg:$0x1] =	wrdreg $0xFFFFFFFF  }
0xa8: {  	s28 =	simm.s32 $_size_execute0_lowered;
	s4 =	sadd.s32 s4, s6;
	[dreg:$0x0] =	wrdreg $0x0  }
0xa9: {  	s6 =	sshll.u32 s28, $0x1;
	[dreg:$0x2] =	wrdreg s4  }
0xaa: {  	[dreg:$0x3] =	wrdreg s6  }
0xab: {  	[dreg:$0x4] =	wrdreg $0xC0  }
0xac: {  	_ =	task [dreg:s8], $0x5FFFF  }
0xad: {  	[dreg:$0x1] =	wrdreg $0xFFFFFFFF  }
0xae: {  	[dreg:$0x0] =	wrdreg $0x60  }
0xaf: {  	[dreg:$0x2] =	wrdreg s2  }
0xb0: {  	[dreg:$0x3] =	wrdreg s24  }
0xb1: {  	[dreg:$0x4] =	wrdreg s18  }
0xb2: {  	[dreg:$0x5] =	wrdreg $0x9  }
0xb3: {  	_ =	task.clear_ibuf [dreg:s8], $0x6FFFF;
	_ =	strace $0x90000046  }
0xb4: {  	s29 =	simm.s32 $0x9;
	_ =	strace $0x80000048  }
0xb5: {  	_ =	swait.ge [sflag:s29], $0x1  }
0xb6: {  	[sflag:s29] =	ssyncadd.s32 $0xFFFFFFFF  }
0xb7: {  	_ =	strace $0x90000048  }
0xb8: {  	_ =	sfence  }
0xb9: {  	s30 =	sld [smem:$0x0];
	_ =	sdelay $0x2  }
0xba: {  	s31 =	sshll.u32 s1, $0xD;
	s1 =	sshrl.u32 s1, $0x2  }
0xbb: {  	s3 =	sand.u32 $0x4000, s31;
	s1 =	sadd.s32 s1, s30  }
0xbc: {  	s0 =	sor.u32 s3, s0;
	s1 =	sshll.u32 s1, $0x11  }
0xbd: {  	s0 =	sor.u32 s1, s0  }
0xbe: {  	s0 =	sadd.s32 $0x8F2B, s0  }
0xbf: {  	[sflag:s0] =	ssyncadd.remote.s32 $0x1  }
0xc0: {  	_ =	sfence.sel $0xFFFF  }
0xc1: {  	[dreg:$0x0] =	wrdreg $0xFFFFFFFF;
	(pc) =	sbr.abs _section_cstart, $3  }
0xc2: {  	[dreg:$0x1] =	wrdreg $0xFFFFFFFF  }
0xc3: {  	_ =	task.clear_ibuf [dreg:s8], $0x2FFFF;
	_ =	strace $0x9FFFFFFF  }
0xc4: {  	(tm) =	ssettm $0x7FFFFFFF  }
0xc5: {  	_ =	shalt  }
tec
execute0_lowered:
.L_overlay_start_1:
0x0: {  	(tag) =	ssettag $0x1  }
0x1: {  	s1 =	rddreg [dreg:$0x0]  }
0x2: {  	s0 =	rddreg [dreg:$0x1]  }
0x3: {  	s2 =	srdreg.scid;
	s9 =	stileid.u32  }
0x4: {  	s4 =	rddreg [dreg:$0x2];
	s3 =	simm.s32 $0x0;
	s15 =	simm.s32 $0xF  }
0x5: {  	s16 =	simm.s32 $0x80;
	s29 =	simm.s32 $0x15900;
	s30 =	simm.s32 $0x3  }
0x6: {  	s2 =	sand.u32 $0x1, s2;
	s5 =	sshll.u32 s9, $0x1;
	s20 =	smul.u32 $0x32000, s9  }
0x7: {  	s5 =	sor.u32 s2, s5;
	s7 =	ssub.s32 $0x2, s2;
	s2 =	smul.u32 $0x19000, s2  }
0x8: {  	s28 =	simm.s32 $0x6;
	s31 =	simm.s32 $0xA;
	s6 =	smul.u32 $0x1900, s5  }
0x9: {  	s10 =	simm.s32 $0x0;
	[smem:$0x7FF] =	sst s3;
	s8 =	smul.u32 $0xC8000, s5  }
0xa: {  	s9 =	simm.s32 $0xE;
	_ =	strace $0x80000047;
	s5 =	smul.u32 $0x19000, s5  }
0xb: {  	s17 =	sshrl.u32 s7, $0x1;
	s6 =	sshrl.u32 s6, $0x3;
	s18 =	sshrl.u32 s8, $0x3  }
0xc: {  	s19 =	sadd.s32 s4, s5;
	s8 =	simm.s32 $0xD;
	s0 =	sadd.s32 s6, s0  }
0xd: {  	s6 =	ssub.s32 s7, s17;
	[dreg:$0x5] =	wrdreg s19;
	s7 =	sadd.s32 $0x800, s19  }
0xe: {  	s17 =	simm.s32 $0x1900;
	s19 =	simm.s32 $0x8;
	s0 =	sadd.s32 $0x400, s0  }
0xf: {  	[dreg:$0x6] =	wrdreg s7;
	s26 =	smax.u32 s6, $0x1;
	s6 =	simm.s32 $0xB  }
0x10: {  	s7 =	simm.s32 $0xC;
	[dreg:$0x4] =	wrdreg s0;
	s0 =	sadd.s32 s4, s18  }
0x11: {  	s4 =	sadd.s32 s20, s4;
	[dreg:$0xd] =	wrdreg s26;
	s21 =	sadd.s32 $0x1000, s0  }
0x12: {  	s18 =	simm.s32 $0x5900;
	s22 =	sadd.s32 $0x16800, s0;
	[dreg:$0x7] =	wrdreg s21  }
0x13: {  	s20 =	simm.s32 $0x9900;
	s23 =	sadd.s32 $0x17000, s0;
	[dreg:$0x8] =	wrdreg s22  }
0x14: {  	s26 =	simm.s32 $0x2;
	s24 =	sadd.s32 $0x17800, s0;
	[dreg:$0x9] =	wrdreg s23  }
0x15: {  	s25 =	sadd.s32 $0x18000, s0;
	s2 =	sadd.s32 s2, s4;
	[dreg:$0xa] =	wrdreg s24  }
0x16: {  	s0 =	sadd.s32 $0x18800, s0;
	s4 =	simm.s32 $0x7;
	[dreg:$0xb] =	wrdreg s25  }
0x17: {  	[dreg:$0xc] =	wrdreg s0;
	s14 =	sadd.s32 $0x2800, s2;
	s22 =	simm.s32 $0xD900  }
0x18: {  	s23 =	simm.s32 $0x1;
	s25 =	simm.s32 $0x11900;
	s2 =	simm.s32 $0x19900  }
0x19: {  	s0 =	simm.s32 $0x4;
	s21 =	simm.s32 $0x5;
	s24 =	simm.s32 $0x9  }
.LBB2_1:
0x1a: {  	s5 =	rddreg [dreg:$0x4]  }
0x1b: {  	[tilespmem:s3], [sflag:$0xF] =	stream.linear.gather [hbm4b:s5+s3], $0x1900, $0x38;
	[tilespmem:$0x1D900] =	vst v63  }
0x1c: {  	_ =	swait.ge [sflag:s15], $0x1900  }
0x1d: {  	[sflag:s15] =	ssyncset.done $0x0  }
0x1e: {  	[sflag:s15] =	ssyncadd.s32 $0xFFFFE700  }
0x1f: {  	[tilespmem:s17], [sflag:$0x1] =	stream.indirect.gather [hbm4b:s1+s16], $0x80, s3, s16, $0xb8;
	[tilespmem:$0x1D900] =	vst v63  }
0x20: {  	_ = 	snop  }
0x21: {  	[tilespmem:s18], [sflag:$0x2] =	stream.indirect.gather [hbm4b:s1+s16], $0x80, s16, s16, $0xb8;
	[tilespmem:$0x1D900] =	vst v63  }
0x22: {  	s12 =	simm.s32 $0x100  }
0x23: {  	[tilespmem:s20], [sflag:$0x3] =	stream.indirect.gather [hbm4b:s1+s16], $0x80, s12, s16, $0xb8;
	[tilespmem:$0x1D900] =	vst v63  }
0x24: {  	s13 =	simm.s32 $0x180  }
0x25: {  	[tilespmem:s22], [sflag:$0x4] =	stream.indirect.gather [hbm4b:s1+s16], $0x80, s13, s16, $0xb8;
	[tilespmem:$0x1D900] =	vst v63  }
0x26: {  	_ =	swait.ge [sflag:s23], $0x4000  }
0x27: {  	[sflag:s23] =	ssyncset.done $0x0  }
0x28: {  	s11 =	rddreg [dreg:$0x5];
	[sflag:s23] =	ssyncadd.s32 $0xFFFFC000  }
0x29: {  	[hbm4b:s11+s3] =	stream.linear.scatter [tilespmem:s17], [sflag:$0x8], $0x4000, $0x38;
	[tilespmem:$0x1D900] =	vst v63  }
0x2a: {  	s12 =	simm.s32 $0x200  }
0x2b: {  	[tilespmem:s25], [sflag:$0x5] =	stream.indirect.gather [hbm4b:s1+s16], $0x80, s12, s16, $0xb8;
	[tilespmem:$0x1D900] =	vst v63  }
0x2c: {  	_ =	swait.ge [sflag:s26], $0x4000  }
0x2d: {  	[sflag:s26] =	ssyncset.done $0x0  }
0x2e: {  	s13 =	rddreg [dreg:$0x6];
	[sflag:s26] =	ssyncadd.s32 $0xFFFFC000  }
0x2f: {  	[hbm4b:s13+s3] =	stream.linear.scatter [tilespmem:s18], [sflag:$0x9], $0x4000, $0x38;
	[tilespmem:$0x1D900] =	vst v63  }
0x30: {  	s11 =	simm.s32 $0x280  }
0x31: {  	[tilespmem:s29], [sflag:$0x6] =	stream.indirect.gather [hbm4b:s1+s16], $0x80, s11, s16, $0xb8;
	[tilespmem:$0x1D900] =	vst v63  }
0x32: {  	_ =	swait.ge [sflag:s30], $0x4000  }
0x33: {  	[sflag:s30] =	ssyncset.done $0x0  }
0x34: {  	s12 =	rddreg [dreg:$0x7];
	[sflag:s30] =	ssyncadd.s32 $0xFFFFC000  }
0x35: {  	[hbm4b:s12+s3] =	stream.linear.scatter [tilespmem:s20], [sflag:$0xA], $0x4000, $0x38;
	[tilespmem:$0x1D900] =	vst v63  }
0x36: {  	s13 =	simm.s32 $0x300  }
0x37: {  	[tilespmem:s2], [sflag:$0x7] =	stream.indirect.gather [hbm4b:s1+s16], $0x80, s13, s16, $0xb8;
	[tilespmem:$0x1D900] =	vst v63  }
0x38: {  	_ =	swait.ge [sflag:s0], $0x4000  }
0x39: {  	[sflag:s0] =	ssyncset.done $0x0  }
0x3a: {  	s11 =	sadd.s32 $0xFFFFF000, s14;
	[sflag:s0] =	ssyncadd.s32 $0xFFFFC000  }
0x3b: {  	[hbm4b:s11+s3] =	stream.linear.scatter [tilespmem:s22], [sflag:$0xB], $0x4000, $0x38;
	[tilespmem:$0x1D900] =	vst v63  }
0x3c: {  	_ =	swait.ge [sflag:s19], $0x4000  }
0x3d: {  	[sflag:s19] =	ssyncset.done $0x0  }
0x3e: {  	s12 =	simm.s32 $0x380;
	[sflag:s19] =	ssyncadd.s32 $0xFFFFC000  }
0x3f: {  	[tilespmem:s17], [sflag:$0x1] =	stream.indirect.gather [hbm4b:s1+s16], $0x80, s12, s16, $0xb8;
	[tilespmem:$0x1D900] =	vst v63  }
0x40: {  	_ =	swait.ge [sflag:s21], $0x4000  }
0x41: {  	[sflag:s21] =	ssyncset.done $0x0  }
0x42: {  	s13 =	sadd.s32 $0xFFFFF800, s14;
	[sflag:s21] =	ssyncadd.s32 $0xFFFFC000  }
0x43: {  	[hbm4b:s13+s3] =	stream.linear.scatter [tilespmem:s25], [sflag:$0xC], $0x4000, $0x38;
	[tilespmem:$0x1D900] =	vst v63  }
0x44: {  	_ =	swait.ge [sflag:s24], $0x4000  }
0x45: {  	[sflag:s24] =	ssyncset.done $0x0  }
0x46: {  	s11 =	simm.s32 $0x400;
	[sflag:s24] =	ssyncadd.s32 $0xFFFFC000  }
0x47: {  	[tilespmem:s18], [sflag:$0x2] =	stream.indirect.gather [hbm4b:s1+s16], $0x80, s11, s16, $0xb8;
	[tilespmem:$0x1D900] =	vst v63  }
0x48: {  	_ =	swait.ge [sflag:s28], $0x4000  }
0x49: {  	[sflag:s28] =	ssyncset.done $0x0  }
0x4a: {  	[sflag:s28] =	ssyncadd.s32 $0xFFFFC000  }
0x4b: {  	[hbm4b:s14+s3] =	stream.linear.scatter [tilespmem:s29], [sflag:$0xD], $0x4000, $0x38;
	[tilespmem:$0x1D900] =	vst v63  }
0x4c: {  	_ =	swait.ge [sflag:s31], $0x4000  }
0x4d: {  	[sflag:s31] =	ssyncset.done $0x0  }
0x4e: {  	s12 =	simm.s32 $0x480;
	[sflag:s31] =	ssyncadd.s32 $0xFFFFC000  }
0x4f: {  	[tilespmem:s20], [sflag:$0x3] =	stream.indirect.gather [hbm4b:s1+s16], $0x80, s12, s16, $0xb8;
	[tilespmem:$0x1D900] =	vst v63  }
0x50: {  	_ =	swait.ge [sflag:s4], $0x4000  }
0x51: {  	[sflag:s4] =	ssyncset.done $0x0  }
0x52: {  	s13 =	sadd.s32 $0x800, s14;
	[sflag:s4] =	ssyncadd.s32 $0xFFFFC000  }
0x53: {  	[hbm4b:s13+s3] =	stream.linear.scatter [tilespmem:s2], [sflag:$0xE], $0x4000, $0x38;
	[tilespmem:$0x1D900] =	vst v63  }
0x54: {  	_ =	swait.ge [sflag:s6], $0x4000  }
0x55: {  	[sflag:s6] =	ssyncset.done $0x0  }
0x56: {  	s11 =	simm.s32 $0x500;
	[sflag:s6] =	ssyncadd.s32 $0xFFFFC000  }
0x57: {  	[tilespmem:s22], [sflag:$0x4] =	stream.indirect.gather [hbm4b:s1+s16], $0x80, s11, s16, $0xb8;
	[tilespmem:$0x1D900] =	vst v63  }
0x58: {  	_ =	swait.ge [sflag:s23], $0x4000  }
0x59: {  	[sflag:s23] =	ssyncset.done $0x0  }
0x5a: {  	s12 =	sadd.s32 $0x1000, s14;
	[sflag:s23] =	ssyncadd.s32 $0xFFFFC000  }
0x5b: {  	[hbm4b:s12+s3] =	stream.linear.scatter [tilespmem:s17], [sflag:$0x8], $0x4000, $0x38;
	[tilespmem:$0x1D900] =	vst v63  }
0x5c: {  	_ =	swait.ge [sflag:s7], $0x4000  }
0x5d: {  	[sflag:s7] =	ssyncset.done $0x0  }
0x5e: {  	s13 =	simm.s32 $0x580;
	[sflag:s7] =	ssyncadd.s32 $0xFFFFC000  }
0x5f: {  	[tilespmem:s25], [sflag:$0x5] =	stream.indirect.gather [hbm4b:s1+s16], $0x80, s13, s16, $0xb8;
	[tilespmem:$0x1D900] =	vst v63  }
0x60: {  	_ =	swait.ge [sflag:s26], $0x4000  }
0x61: {  	[sflag:s26] =	ssyncset.done $0x0  }
0x62: {  	s11 =	sadd.s32 $0x1800, s14;
	[sflag:s26] =	ssyncadd.s32 $0xFFFFC000  }
0x63: {  	[hbm4b:s11+s3] =	stream.linear.scatter [tilespmem:s18], [sflag:$0x9], $0x4000, $0x38;
	[tilespmem:$0x1D900] =	vst v63  }
0x64: {  	_ =	swait.ge [sflag:s8], $0x4000  }
0x65: {  	[sflag:s8] =	ssyncset.done $0x0  }
0x66: {  	s12 =	simm.s32 $0x600;
	[sflag:s8] =	ssyncadd.s32 $0xFFFFC000  }
0x67: {  	[tilespmem:s29], [sflag:$0x6] =	stream.indirect.gather [hbm4b:s1+s16], $0x80, s12, s16, $0xb8;
	[tilespmem:$0x1D900] =	vst v63  }
0x68: {  	_ =	swait.ge [sflag:s30], $0x4000  }
0x69: {  	[sflag:s30] =	ssyncset.done $0x0  }
0x6a: {  	s13 =	sadd.s32 $0x2000, s14;
	[sflag:s30] =	ssyncadd.s32 $0xFFFFC000  }
0x6b: {  	[hbm4b:s13+s3] =	stream.linear.scatter [tilespmem:s20], [sflag:$0xA], $0x4000, $0x38;
	[tilespmem:$0x1D900] =	vst v63  }
0x6c: {  	_ =	swait.ge [sflag:s9], $0x4000  }
0x6d: {  	s5 =	sadd.s32 $0x3800, s14;
	[sflag:s9] =	ssyncset.done $0x0  }
0x6e: {  	s11 =	simm.s32 $0xE00;
	s12 =	simm.s32 $0x680;
	[sflag:s9] =	ssyncadd.s32 $0xFFFFC000  }
.LBB2_2:
0x6f: {  	[tilespmem:s2], [sflag:$0x7] =	stream.indirect.gather [hbm4b:s1+s16], $0x80, s12, s16, $0xb8;
	[tilespmem:$0x1D900] =	vst v63  }
0x70: {  	s12 =	smov.u32 s11  }
0x71: {  	p0 =	sne.s32 s11, $0x4600;
	s11 =	sadd.s32 $0xE00, s11;
	_ =	swait.ge [sflag:s0], $0x4000  }
0x72: {  	[sflag:s0] =	ssyncset.done $0x0  }
0x73: {  	s13 =	sadd.s32 $0xFFFFF000, s5;
	[sflag:s0] =	ssyncadd.s32 $0xFFFFC000  }
0x74: {  	[hbm4b:s13+s3] =	stream.linear.scatter [tilespmem:s22], [sflag:$0xB], $0x4000, $0x38;
	[tilespmem:$0x1D900] =	vst v63  }
0x75: {  	_ =	swait.ge [sflag:s19], $0x4000  }
0x76: {  	s12 =	sshra.s32 s12, $0x2;
	[sflag:s19] =	ssyncset.done $0x0  }
0x77: {  	s13 =	sadd.s32 $0x380, s12;
	[sflag:s19] =	ssyncadd.s32 $0xFFFFC000  }
0x78: {  	[tilespmem:s17], [sflag:$0x1] =	stream.indirect.gather [hbm4b:s1+s16], $0x80, s13, s16, $0xb8;
	[tilespmem:$0x1D900] =	vst v63  }
0x79: {  	_ =	swait.ge [sflag:s21], $0x4000  }
0x7a: {  	[sflag:s21] =	ssyncset.done $0x0  }
0x7b: {  	s13 =	sadd.s32 $0xFFFFF800, s5;
	[sflag:s21] =	ssyncadd.s32 $0xFFFFC000  }
0x7c: {  	[hbm4b:s13+s3] =	stream.linear.scatter [tilespmem:s25], [sflag:$0xC], $0x4000, $0x38;
	[tilespmem:$0x1D900] =	vst v63  }
0x7d: {  	_ =	swait.ge [sflag:s24], $0x4000  }
0x7e: {  	[sflag:s24] =	ssyncset.done $0x0  }
0x7f: {  	s13 =	sadd.s32 $0x400, s12;
	[sflag:s24] =	ssyncadd.s32 $0xFFFFC000  }
0x80: {  	[tilespmem:s18], [sflag:$0x2] =	stream.indirect.gather [hbm4b:s1+s16], $0x80, s13, s16, $0xb8;
	[tilespmem:$0x1D900] =	vst v63  }
0x81: {  	_ =	swait.ge [sflag:s28], $0x4000  }
0x82: {  	[sflag:s28] =	ssyncset.done $0x0  }
0x83: {  	[sflag:s28] =	ssyncadd.s32 $0xFFFFC000  }
0x84: {  	[hbm4b:s5+s3] =	stream.linear.scatter [tilespmem:s29], [sflag:$0xD], $0x4000, $0x38;
	[tilespmem:$0x1D900] =	vst v63  }
0x85: {  	_ =	swait.ge [sflag:s31], $0x4000  }
0x86: {  	[sflag:s31] =	ssyncset.done $0x0  }
0x87: {  	s13 =	sadd.s32 $0x480, s12;
	[sflag:s31] =	ssyncadd.s32 $0xFFFFC000  }
0x88: {  	[tilespmem:s20], [sflag:$0x3] =	stream.indirect.gather [hbm4b:s1+s16], $0x80, s13, s16, $0xb8;
	[tilespmem:$0x1D900] =	vst v63  }
0x89: {  	_ =	swait.ge [sflag:s4], $0x4000  }
0x8a: {  	[sflag:s4] =	ssyncset.done $0x0  }
0x8b: {  	s13 =	sadd.s32 $0x800, s5;
	[sflag:s4] =	ssyncadd.s32 $0xFFFFC000  }
0x8c: {  	[hbm4b:s13+s3] =	stream.linear.scatter [tilespmem:s2], [sflag:$0xE], $0x4000, $0x38;
	[tilespmem:$0x1D900] =	vst v63  }
0x8d: {  	_ =	swait.ge [sflag:s6], $0x4000  }
0x8e: {  	[sflag:s6] =	ssyncset.done $0x0  }
0x8f: {  	s13 =	sadd.s32 $0x500, s12;
	[sflag:s6] =	ssyncadd.s32 $0xFFFFC000  }
0x90: {  	[tilespmem:s22], [sflag:$0x4] =	stream.indirect.gather [hbm4b:s1+s16], $0x80, s13, s16, $0xb8;
	[tilespmem:$0x1D900] =	vst v63  }
0x91: {  	_ =	swait.ge [sflag:s23], $0x4000  }
0x92: {  	[sflag:s23] =	ssyncset.done $0x0  }
0x93: {  	s13 =	sadd.s32 $0x1000, s5;
	[sflag:s23] =	ssyncadd.s32 $0xFFFFC000  }
0x94: {  	[hbm4b:s13+s3] =	stream.linear.scatter [tilespmem:s17], [sflag:$0x8], $0x4000, $0x38;
	[tilespmem:$0x1D900] =	vst v63  }
0x95: {  	_ =	swait.ge [sflag:s7], $0x4000  }
0x96: {  	[sflag:s7] =	ssyncset.done $0x0  }
0x97: {  	s13 =	sadd.s32 $0x580, s12;
	[sflag:s7] =	ssyncadd.s32 $0xFFFFC000  }
0x98: {  	[tilespmem:s25], [sflag:$0x5] =	stream.indirect.gather [hbm4b:s1+s16], $0x80, s13, s16, $0xb8;
	[tilespmem:$0x1D900] =	vst v63  }
0x99: {  	_ =	swait.ge [sflag:s26], $0x4000  }
0x9a: {  	[sflag:s26] =	ssyncset.done $0x0  }
0x9b: {  	s13 =	sadd.s32 $0x1800, s5;
	[sflag:s26] =	ssyncadd.s32 $0xFFFFC000  }
0x9c: {  	[hbm4b:s13+s3] =	stream.linear.scatter [tilespmem:s18], [sflag:$0x9], $0x4000, $0x38;
	[tilespmem:$0x1D900] =	vst v63  }
0x9d: {  	_ =	swait.ge [sflag:s8], $0x4000  }
0x9e: {  	[sflag:s8] =	ssyncset.done $0x0  }
0x9f: {  	s13 =	sadd.s32 $0x600, s12;
	[sflag:s8] =	ssyncadd.s32 $0xFFFFC000  }
0xa0: {  	[tilespmem:s29], [sflag:$0x6] =	stream.indirect.gather [hbm4b:s1+s16], $0x80, s13, s16, $0xb8;
	[tilespmem:$0x1D900] =	vst v63  }
0xa1: {  	_ =	swait.ge [sflag:s30], $0x4000  }
0xa2: {  	[sflag:s30] =	ssyncset.done $0x0  }
.Ltmp0:
0xa3: {  	s13 =	sadd.s32 $0x2000, s5;
	[sflag:s30] =	ssyncadd.s32 $0xFFFFC000;
	(pc) =	sbr.rel @p0 .LBB2_2-.Ltmp0, $4  }
0xa4: {  	[hbm4b:s13+s3] =	stream.linear.scatter [tilespmem:s20], [sflag:$0xA], $0x4000, $0x38;
	[tilespmem:$0x1D900] =	vst v63  }
0xa5: {  	_ =	swait.ge [sflag:s9], $0x4000  }
0xa6: {  	[sflag:s9] =	ssyncset.done $0x0  }
0xa7: {  	s12 =	sadd.s32 $0x680, s12;
	s5 =	sadd.s32 $0x3800, s5;
	[sflag:s9] =	ssyncadd.s32 $0xFFFFC000  }
0xa8: {  	[tilespmem:s2], [sflag:$0x7] =	stream.indirect.gather [hbm4b:s1+s16], $0x80, s12, s16, $0xb8;
	[tilespmem:$0x1D900] =	vst v63  }
0xa9: {  	_ =	swait.ge [sflag:s0], $0x4000  }
0xaa: {  	[sflag:s0] =	ssyncset.done $0x0  }
0xab: {  	s5 =	rddreg [dreg:$0x8];
	[sflag:s0] =	ssyncadd.s32 $0xFFFFC000  }
0xac: {  	[hbm4b:s5+s3] =	stream.linear.scatter [tilespmem:s22], [sflag:$0xB], $0x4000, $0x38;
	[tilespmem:$0x1D900] =	vst v63  }
0xad: {  	_ =	swait.ge [sflag:s19], $0x4000  }
0xae: {  	[sflag:s19] =	ssyncset.done $0x0  }
0xaf: {  	s11 =	simm.s32 $0x1880;
	[sflag:s19] =	ssyncadd.s32 $0xFFFFC000  }
0xb0: {  	[tilespmem:s17], [sflag:$0x1] =	stream.indirect.gather [hbm4b:s1+s16], $0x80, s11, s16, $0xb8;
	[tilespmem:$0x1D900] =	vst v63  }
0xb1: {  	_ =	swait.ge [sflag:s21], $0x4000  }
0xb2: {  	[sflag:s21] =	ssyncset.done $0x0  }
0xb3: {  	s12 =	rddreg [dreg:$0x9];
	[sflag:s21] =	ssyncadd.s32 $0xFFFFC000  }
0xb4: {  	[hbm4b:s12+s3] =	stream.linear.scatter [tilespmem:s25], [sflag:$0xC], $0x4000, $0x38;
	[tilespmem:$0x1D900] =	vst v63  }
0xb5: {  	_ =	swait.ge [sflag:s28], $0x4000  }
0xb6: {  	[sflag:s28] =	ssyncset.done $0x0  }
0xb7: {  	s13 =	rddreg [dreg:$0xa];
	[sflag:s28] =	ssyncadd.s32 $0xFFFFC000  }
0xb8: {  	[hbm4b:s13+s3] =	stream.linear.scatter [tilespmem:s29], [sflag:$0xD], $0x4000, $0x38;
	[tilespmem:$0x1D900] =	vst v63  }
0xb9: {  	_ =	swait.ge [sflag:s4], $0x4000  }
0xba: {  	[sflag:s4] =	ssyncset.done $0x0  }
0xbb: {  	s11 =	rddreg [dreg:$0xb];
	[sflag:s4] =	ssyncadd.s32 $0xFFFFC000  }
0xbc: {  	[hbm4b:s11+s3] =	stream.linear.scatter [tilespmem:s2], [sflag:$0xE], $0x4000, $0x38;
	[tilespmem:$0x1D900] =	vst v63  }
0xbd: {  	_ =	swait.ge [sflag:s23], $0x4000  }
0xbe: {  	[sflag:s23] =	ssyncset.done $0x0  }
0xbf: {  	s12 =	rddreg [dreg:$0xc];
	[sflag:s23] =	ssyncadd.s32 $0xFFFFC000  }
0xc0: {  	[hbm4b:s12+s3] =	stream.linear.scatter [tilespmem:s17], [sflag:$0x8], $0x4000, $0x38;
	[tilespmem:$0x1D900] =	vst v63  }
0xc1: {  	_ =	swait.ge [sflag:s24], $0x4000  }
0xc2: {  	[sflag:s24] =	ssyncset.done $0x0  }
0xc3: {  	[sflag:s24] =	ssyncadd.s32 $0xFFFFC000  }
0xc4: {  	_ =	swait.ge [sflag:s31], $0x4000  }
0xc5: {  	[sflag:s31] =	ssyncset.done $0x0  }
0xc6: {  	[sflag:s31] =	ssyncadd.s32 $0xFFFFC000  }
0xc7: {  	_ =	swait.ge [sflag:s6], $0x4000  }
0xc8: {  	[sflag:s6] =	ssyncset.done $0x0  }
0xc9: {  	[sflag:s6] =	ssyncadd.s32 $0xFFFFC000  }
0xca: {  	_ =	swait.ge [sflag:s7], $0x4000  }
0xcb: {  	[sflag:s7] =	ssyncset.done $0x0  }
0xcc: {  	[sflag:s7] =	ssyncadd.s32 $0xFFFFC000  }
0xcd: {  	_ =	swait.ge [sflag:s8], $0x4000  }
0xce: {  	[sflag:s8] =	ssyncset.done $0x0  }
0xcf: {  	[sflag:s8] =	ssyncadd.s32 $0xFFFFC000  }
0xd0: {  	_ =	swait.ge [sflag:s9], $0x4000  }
0xd1: {  	[sflag:s9] =	ssyncset.done $0x0  }
0xd2: {  	[sflag:s9] =	ssyncadd.s32 $0xFFFFC000  }
0xd3: {  	_ =	swait.ge [sflag:s19], $0x4000  }
0xd4: {  	s10 =	sadd.s32 $0x1, s10;
	s13 =	rddreg [dreg:$0xd]  }
0xd5: {  	p0 =	sne.s32 s10, s13  }
.Ltmp1:
0xd6: {  	_ = 	snop;
	(pc) =	sbr.rel @p0 .LBB2_1-.Ltmp1, $3  }
0xd7: {  	_ =	sdelay $0x1  }
0xd8: {  	[sflag:s19] =	ssyncset.done $0x0  }
0xd9: {  	[sflag:s19] =	ssyncadd.s32 $0xFFFFC000  }
0xda: {  	_ =	sfence.sel $0x180000  }
0xdb: {  	[bflag:$0x0] =	sbarrier.arrive $0xFFFF  }
0xdc: {  	_ =	strace $0x90000047  }
0xdd: {  	s0 =	stileid.u32;
	[bflag:$0x2] =	sbarrier.arrive $0xFFFF  }
0xde: {  	p0 =	sne.s32 s0, $0x0;
	s0 =	rddreg [dreg:$0x3]  }
0xdf: {  	s0 =	sadd.s32 @!p0 $0x100000, s0  }
0xe0: {  	[sflag:s0] =	ssyncadd.tile.s32 @!p0 $0x1;
	_ =	shalt  }
.Lfunc_end2:
_tile_overlayer_lowered:
.L_overlay_start_2:
0xe1: {  	(tag) =	ssettag $0x2  }
0xe2: {  	s0 =	rddreg [dreg:$0x0];
	s2 =	stileid.u32  }
0xe3: {  	s1 =	rddreg [dreg:$0x1];
	p0 =	sne.s32 s2, $0x0  }
0xe4: {  	s3 =	rddreg [dreg:$0x2];
	[bflag:$0x3] =	sbarrier.arrive $0xFFFF;
	s2 =	simm.s32 @!p0 $0x1C0F  }
0xe5: {  	[timem:s3], [sflag:s2] =	dma.local @!p0 [hbm:s0], s1  }
0xe6: {  	s0 =	simm.s32 @!p0 $0xF  }
0xe7: {  	_ =	swait.ge @!p0 [sflag:s0], s1  }
0xe8: {  	s1 =	ssub.s32 @!p0 $0x0, s1;
	[sflag:s0] =	ssyncset.done @!p0 $0x0  }
0xe9: {  	[sflag:s0] =	ssyncadd.s32 @!p0 s1  }
0xea: {  	[bflag:$0x3] =	sbarrier.arrive $0xFFFF  }
0xeb: {  	_ =	shalt  }

</sc_bundles>
